<compile_context>
chip_gen: v7x
topology: tpu7x:2x2x1
jax: 0.10.2.dev20260603
libtpu: 0.0.44.dev20260713+nightly
codegen_flags: <defaults>
</compile_context>

<pallas_src>
import functools
import math

import jax
import jax.numpy as jnp
import numpy as np
from jax import lax
from jax.experimental import pallas as pl
from jax.experimental.pallas import tpu as pltpu
from jax.experimental.pallas import tpu_sc as plsc

N = 10000
E = 160000
DIN = 32
DOUT = 32
NA = 4
DEDGE = 16
HID = 64

NC = 2
NS = 16
NW = NC * NS
NPT = N // NS
NB = 3
NQ = 5

EHS = (E,)
TE = 6400

INV_SQRT_CA = 1.0 / math.sqrt(DIN * NA)
INV_SQRT_C = 1.0 / math.sqrt(DIN * 1)
C_S = math.sin(math.pi / 8.0)
C_X = math.cos(math.pi / 8.0)

_sc_mesh = plsc.VectorSubcoreMesh(core_axis_name="c", subcore_axis_name="s")
_sc_params = pltpu.CompilerParams(use_tc_tiling_on_sc=False)



def _node_pre_body(ni_ref, na_ref, wcat_ref, x_ref, s_ref):
    ni = ni_ref[...]
    na = na_ref[...]
    acc = jnp.zeros((ni.shape[0], 2 * DOUT), jnp.float32)
    for a in range(NA):
        acc = acc + na[:, a:a + 1] * jnp.dot(
            ni, wcat_ref[a], preferred_element_type=jnp.float32)
    acc = acc * INV_SQRT_CA
    x_ref[...] = acc[:, :DOUT]
    s_ref[...] = acc[:, DOUT:]


def _node_pre(ni, na, wcat):
    nt = 2000
    grid = (N // nt,)
    return pl.pallas_call(
        _node_pre_body,
        grid=grid,
        in_specs=[
            pl.BlockSpec((nt, DIN), lambda i: (i, 0)),
            pl.BlockSpec((nt, NA), lambda i: (i, 0)),
            pl.BlockSpec((NA, DIN, 2 * DOUT), lambda i: (0, 0, 0)),
        ],
        out_specs=[
            pl.BlockSpec((nt, DOUT), lambda i: (i, 0)),
            pl.BlockSpec((nt, DOUT), lambda i: (i, 0)),
        ],
        out_shape=[
            jax.ShapeDtypeStruct((N, DOUT), jnp.float32),
            jax.ShapeDtypeStruct((N, DOUT), jnp.float32),
        ],
    )(ni, na, wcat)



def _make_gather(eh):
    per_w = eh // NW
    qch = per_w // NQ
    assert qch % 8 == 0 and per_w % 8 == 0

    @functools.partial(
        pl.kernel,
        out_type=jax.ShapeDtypeStruct((eh, DIN), jnp.float32),
        mesh=_sc_mesh,
        compiler_params=_sc_params,
        scratch_types=[
            [pltpu.VMEM((qch,), jnp.int32) for _ in range(NQ)],
            [pltpu.VMEM((qch, DIN), jnp.float32) for _ in range(NB)],
            [pltpu.SemaphoreType.DMA for _ in range(NB)],
            [pltpu.SemaphoreType.DMA for _ in range(NB)],
        ],
    )
    def gather_k(x_hbm, src_hbm, out_hbm, idxs, bufs, gsems, ssems):
        cid = lax.axis_index("c")
        sid = lax.axis_index("s")
        wid = sid * NC + cid
        for q in range(NQ):
            pltpu.sync_copy(src_hbm.at[pl.ds(wid * per_w + q * qch, qch)],
                            idxs[q])
        gps, sts = [None] * NQ, [None] * NQ
        for q in range(NQ):
            if q >= NB:
                sts[q - NB].wait()
            gps[q] = pltpu.async_copy(x_hbm.at[idxs[q]], bufs[q % NB],
                                      gsems[q % NB])
            if q >= 1:
                gps[q - 1].wait()
                sts[q - 1] = pltpu.async_copy(
                    bufs[(q - 1) % NB],
                    out_hbm.at[pl.ds(wid * per_w + (q - 1) * qch, qch)],
                    ssems[(q - 1) % NB])
        gps[NQ - 1].wait()
        sts[NQ - 1] = pltpu.async_copy(
            bufs[(NQ - 1) % NB],
            out_hbm.at[pl.ds(wid * per_w + (NQ - 1) * qch, qch)],
            ssems[(NQ - 1) % NB])
        for q in range(max(0, NQ - NB), NQ):
            if sts[q] is not None:
                sts[q].wait()

    return gather_k



def _edge_body(eft_ref, xs_ref, w1t_ref, b1_ref, w2t_ref, b2_ref, msg_ref):
    eft = eft_ref[...].astype(jnp.bfloat16)
    z = jnp.dot(w1t_ref[...], eft,
                preferred_element_type=jnp.float32) + b1_ref[...]
    h = z * jax.nn.sigmoid(z)
    full = jnp.dot(w2t_ref[...], h.astype(jnp.bfloat16),
                   preferred_element_type=jnp.float32) + b2_ref[...]
    xt = xs_ref[...].T
    acc = jnp.zeros((DOUT, TE), jnp.float32)
    for c in range(DIN):
        acc = acc + full[c * DOUT:(c + 1) * DOUT, :] * xt[c:c + 1, :]
    msg_ref[...] = (acc * INV_SQRT_C).T


def _edge(ef, xs, w1t, b1c, w2t, b2c, tile_off, eh):
    grid = (eh // TE,)
    return pl.pallas_call(
        _edge_body,
        grid=grid,
        in_specs=[
            pl.BlockSpec((DEDGE, TE), lambda i: (0, i + tile_off)),
            pl.BlockSpec((TE, DIN), lambda i: (i, 0)),
            pl.BlockSpec((HID, DEDGE), lambda i: (0, 0)),
            pl.BlockSpec((HID, 1), lambda i: (0, 0)),
            pl.BlockSpec((DIN * DOUT, HID), lambda i: (0, 0)),
            pl.BlockSpec((DIN * DOUT, 1), lambda i: (0, 0)),
        ],
        out_specs=pl.BlockSpec((TE, DOUT), lambda i: (i, 0)),
        out_shape=jax.ShapeDtypeStruct((eh, DOUT), jnp.float32),
    )(ef, xs, w1t, b1c, w2t, b2c)



def _make_scatter(eh):
    per_w = eh // NW
    qch = per_w // NQ
    assert qch % 8 == 0 and per_w % 8 == 0

    @functools.partial(
        pl.kernel,
        out_type=jax.ShapeDtypeStruct((NC, N, DOUT), jnp.float32),
        mesh=_sc_mesh,
        compiler_params=_sc_params,
        scratch_types=[
            [pltpu.VMEM((qch,), jnp.int32) for _ in range(NQ)],
            [pltpu.VMEM((qch, DOUT), jnp.float32) for _ in range(NB)],
            pltpu.VMEM_SHARED((N, DOUT), jnp.float32),
            [pltpu.SemaphoreType.DMA for _ in range(NB)],
            [pltpu.SemaphoreType.DMA for _ in range(NB)],
        ],
    )
    def scatter_k(msg_hbm, dst_hbm, zeros_hbm, out_hbm, idxs, bufs,
                  agg_sh, lsems, asems):
        cid = lax.axis_index("c")
        sid = lax.axis_index("s")
        wid = sid * NC + cid
        pltpu.sync_copy(zeros_hbm.at[pl.ds(sid * NPT, NPT)],
                        agg_sh.at[pl.ds(sid * NPT, NPT)])
        for q in range(NQ):
            pltpu.sync_copy(dst_hbm.at[pl.ds(wid * per_w + q * qch, qch)],
                            idxs[q])
        plsc.subcore_barrier()
        lds, ads = [None] * NQ, [None] * NQ
        for q in range(NQ):
            if q >= NB:
                ads[q - NB].wait()
            lds[q] = pltpu.async_copy(
                msg_hbm.at[pl.ds(wid * per_w + q * qch, qch)], bufs[q % NB],
                lsems[q % NB])
            if q >= 1:
                lds[q - 1].wait()
                ads[q - 1] = pltpu.async_copy(
                    bufs[(q - 1) % NB], agg_sh.at[idxs[q - 1]],
                    asems[(q - 1) % NB], add=True)
        lds[NQ - 1].wait()
        ads[NQ - 1] = pltpu.async_copy(
            bufs[(NQ - 1) % NB], agg_sh.at[idxs[NQ - 1]],
            asems[(NQ - 1) % NB], add=True)
        for q in range(max(0, NQ - NB), NQ):
            if ads[q] is not None:
                ads[q].wait()
        plsc.subcore_barrier()
        pltpu.sync_copy(agg_sh.at[pl.ds(sid * NPT, NPT)],
                        out_hbm.at[cid].at[pl.ds(sid * NPT, NPT)])

    return scatter_k


_gather_ks = tuple(_make_gather(eh) for eh in EHS)
_scatter_ks = tuple(_make_scatter(eh) for eh in EHS)



def _final_body(a0_ref, a1_ref, na_ref, s_ref, w2_ref, out_ref):
    agg = (a0_ref[0] + a1_ref[0]) * 0.25
    na = na_ref[...]
    acc = jnp.zeros(agg.shape, jnp.float32)
    for a in range(NA):
        acc = acc + na[:, a:a + 1] * jnp.dot(
            agg, w2_ref[a], preferred_element_type=jnp.float32)
    x2 = acc * INV_SQRT_CA
    out_ref[...] = (C_S * s_ref[...] + C_X * x2).T


def _final(a0, na, s, wl2t):
    return pl.pallas_call(
        _final_body,
        grid=(1,),
        in_specs=[
            pl.BlockSpec((1, N, DOUT), lambda i: (0, 0, 0)),
            pl.BlockSpec((1, N, DOUT), lambda i: (1, 0, 0)),
            pl.BlockSpec((N, NA), lambda i: (0, 0)),
            pl.BlockSpec((N, DOUT), lambda i: (0, 0)),
            pl.BlockSpec((NA, DIN, DOUT), lambda i: (0, 0, 0)),
        ],
        out_specs=pl.BlockSpec((DOUT, N), lambda i: (0, 0)),
        out_shape=jax.ShapeDtypeStruct((DOUT, N), jnp.float32),
    )(a0, a0, na, s, wl2t)


def kernel(node_input, node_attr, edge_src, edge_dst, edge_features,
           W_sc, W_lin1, W_lin2, fc_w1, fc_b1, fc_w2, fc_b2):
    wcat = jnp.concatenate([W_lin1, W_sc], axis=2).transpose(1, 0, 2)
    wl2t = W_lin2.transpose(1, 0, 2)
    w1t = fc_w1.T.astype(jnp.bfloat16)
    b1c = fc_b1.reshape(HID, 1)
    w2t = fc_w2.T.astype(jnp.bfloat16)
    b2c = fc_b2.reshape(DIN * DOUT, 1)

    x, s = _node_pre(node_input, node_attr, wcat)

    zeros = jnp.zeros((N, DOUT), jnp.float32)
    eft = edge_features.T
    xg = _gather_ks[0](x, edge_src)
    msg = _edge(eft, xg, w1t, b1c, w2t, b2c, 0, E)
    aggs = _scatter_ks[0](msg, edge_dst, zeros)

    return _final(aggs, node_attr, s, wl2t).T

# --- scband reference (transcript-rebuilt; emitter-appended) ---
"""Pipeline reference for scband-convolution-56152402428536 (READ-ONLY COPY).

The authoritative reference and input builder live on the scoring server;
editing this copy changes nothing except your own understanding.
"""

import jax, jax.numpy as jnp
import numpy as np

N = 10000
E = 160000
D_IN = 32
D_OUT = 32
A = 4
D_EDGE = 16
HID = 64
I_EDGE = 1  # irreps_edge_attr = '1x0e' (scalar): spherical harmonics are identically 1


def setup_inputs(seed: int = 0) -> dict:
    key = jax.random.key(seed)
    ks = jax.random.split(key, 12)
    node_input = jax.random.normal(ks[0], (N, D_IN), dtype=jnp.float32)
    node_attr = jax.random.normal(ks[1], (N, A), dtype=jnp.float32)
    edge_src = jax.random.randint(ks[2], (E,), 0, N, dtype=jnp.int32)
    edge_dst = jax.random.randint(ks[3], (E,), 0, N, dtype=jnp.int32)
    edge_features = jax.random.normal(ks[4], (E, D_EDGE), dtype=jnp.float32)
    # FullyConnectedTensorProduct weights (scalar irreps -> bilinear maps w[c,a,o])
    W_sc = jax.random.normal(ks[5], (D_IN, A, D_OUT), dtype=jnp.float32)
    W_lin1 = jax.random.normal(ks[6], (D_IN, A, D_IN), dtype=jnp.float32)
    W_lin2 = jax.random.normal(ks[7], (D_IN, A, D_OUT), dtype=jnp.float32)
    # radial MLP: Linear(16, 64) -> SiLU -> Linear(64, D_IN * I_EDGE * D_OUT)
    fc_w1 = jax.random.normal(ks[8], (D_EDGE, HID), dtype=jnp.float32) / np.sqrt(D_EDGE)
    fc_b1 = jnp.zeros((HID,), dtype=jnp.float32)
    fc_w2 = jax.random.normal(ks[9], (HID, D_IN * I_EDGE * D_OUT), dtype=jnp.float32) / np.sqrt(HID)
    fc_b2 = jnp.zeros((D_IN * I_EDGE * D_OUT,), dtype=jnp.float32)
    return {
        'node_input': node_input,
        'node_attr': node_attr,
        'edge_src': edge_src,
        'edge_dst': edge_dst,
        'edge_features': edge_features,
        'W_sc': W_sc,
        'W_lin1': W_lin1,
        'W_lin2': W_lin2,
        'fc_w1': fc_w1,
        'fc_b1': fc_b1,
        'fc_w2': fc_w2,
        'fc_b2': fc_b2,
    }


def _fctp(x, attr, W):
    # FullyConnectedTensorProduct for scalar irreps, with path normalization
    c = x.shape[1]
    a = attr.shape[1]
    return jnp.einsum('nc,na,cao->no', x, attr, W) / np.sqrt(c * a)


def reference(node_input, node_attr, edge_src, edge_dst, edge_features,
              W_sc, W_lin1, W_lin2, fc_w1, fc_b1, fc_w2, fc_b2):
    num_neighbors = 16.0
    Nn, Din = node_input.shape
    Dout = W_sc.shape[2]
    # radial network producing per-edge tensor-product weights
    h = jax.nn.silu(edge_features @ fc_w1 + fc_b1)
    ef = (h @ fc_w2 + fc_b2).reshape(-1, Din, I_EDGE, Dout)
    # self-connection and first linear (both conditioned on node_attr)
    s = _fctp(node_input, node_attr, W_sc)
    x = _fctp(node_input, node_attr, W_lin1)
    # gather source-node features; scalar edge irreps => sh == 1, i-axis of size 1
    x_src = x[edge_src][:, :, None]  # [E, Din, 1]
    # per-edge weighted tensor product (einsum over input channel and edge-irrep axes)
    msg = jnp.einsum('nci,ncio->no', x_src, ef) / np.sqrt(Din * I_EDGE)
    # scatter-add messages to destination nodes
    agg = jnp.zeros((Nn, Dout), dtype=node_input.dtype).at[edge_dst].add(msg)
    x2 = _fctp(agg / np.sqrt(num_neighbors), node_attr, W_lin2)
    c_s = np.sin(np.pi / 8.0)
    c_x = np.cos(np.pi / 8.0)
    m = jnp.ones((Dout,), dtype=node_input.dtype)  # sc output_mask: all-ones for scalar irreps
    c_x_vec = 1.0 - m + c_x * m
    return c_s * s + c_x_vec * x2

if __name__ == "__main__":
    import jax
    _d = setup_inputs()
    print(jax.jit(kernel)(*tuple(_d.values())))

</pallas_src>

<mosaic_0001>
#map = affine_map<(d0, d1) -> (0, 0)>
#map1 = affine_map<(d0, d1) -> (0)>
#map2 = affine_map<(d0, d1) -> (0, 0, 0)>
module attributes {stable_mosaic.version = 14 : i64} {
  func.func @scatter_k(%arg0: i32, %arg1: i32, %arg2: memref<160000x32xf32, #tpu.memory_space<hbm>>, %arg3: memref<160000xi32, #tpu.memory_space<hbm>>, %arg4: memref<10000x32xf32, #tpu.memory_space<hbm>>, %arg5: memref<2x10000x32xf32, #tpu.memory_space<hbm>>, %arg6: memref<1000xi32, #tpu.memory_space<vmem>>, %arg7: memref<1000xi32, #tpu.memory_space<vmem>>, %arg8: memref<1000xi32, #tpu.memory_space<vmem>>, %arg9: memref<1000xi32, #tpu.memory_space<vmem>>, %arg10: memref<1000xi32, #tpu.memory_space<vmem>>, %arg11: memref<1000x32xf32, #tpu.memory_space<vmem>>, %arg12: memref<1000x32xf32, #tpu.memory_space<vmem>>, %arg13: memref<1000x32xf32, #tpu.memory_space<vmem>>, %arg14: memref<10000x32xf32, #tpu.memory_space<vmem_shared>>, %arg15: memref<!tpu.dma_semaphore, #tpu.memory_space<semaphore_mem>>, %arg16: memref<!tpu.dma_semaphore, #tpu.memory_space<semaphore_mem>>, %arg17: memref<!tpu.dma_semaphore, #tpu.memory_space<semaphore_mem>>, %arg18: memref<!tpu.dma_semaphore, #tpu.memory_space<semaphore_mem>>, %arg19: memref<!tpu.dma_semaphore, #tpu.memory_space<semaphore_mem>>, %arg20: memref<!tpu.dma_semaphore, #tpu.memory_space<semaphore_mem>>) attributes {dimension_semantics = [#tpu.dimension_semantics<core_parallel>, #tpu.dimension_semantics<subcore_parallel>], iteration_bounds = array<i64: 2, 16>, scalar_prefetch = 0 : i64, scratch_operands = 15 : i64, tpu.core_type = #tpu.core_type<sc_vector_subcore>, window_params = [{transform_indices = #map}, {transform_indices = #map1}, {transform_indices = #map}, {transform_indices = #map2}]} {
    %mul3A = arith.constant 2 : i32
    %mul3A_0 = arith.muli %arg1, %mul3A : i32
    %add3A = arith.addi %mul3A_0, %arg0 : i32
    %mul3A_1 = arith.constant 625 : i32
    %mul3A_2 = arith.muli %arg1, %mul3A_1 : i32
    %mul3A_3 = arith.constant 625 : i32
    %mul3A_4 = arith.muli %arg1, %mul3A_3 : i32
    "tpu.region"() ({
      %run_scoped3A = tpu.sem_alloc : memref<!tpu.dma_semaphore, #tpu.memory_space<semaphore_mem>>
      %dma_start3A_118 = arith.constant 0 : i32
      %dma_start3A_119 = tpu.memref_slice %arg14[%mul3A_4, %dma_start3A_118] : memref<10000x32xf32, #tpu.memory_space<vmem_shared>> -> memref<625x32xf32, #tpu.memory_space<vmem_shared>>
      %dma_start3A_120 = arith.constant 0 : i32
      %dma_start3A_121 = tpu.memref_slice %arg4[%mul3A_2, %dma_start3A_120] : memref<10000x32xf32, #tpu.memory_space<hbm>> -> memref<625x32xf32, #tpu.memory_space<hbm>>
      tpu.enqueue_dma source(%dma_start3A_121 : memref<625x32xf32, #tpu.memory_space<hbm>>) target(%dma_start3A_119 : memref<625x32xf32, #tpu.memory_space<vmem_shared>>) target_semaphore(%run_scoped3A : memref<!tpu.dma_semaphore, #tpu.memory_space<semaphore_mem>>)
      %dma_wait3A_122 = arith.constant 0 : i32
      %dma_wait3A_123 = tpu.memref_slice %arg14[%mul3A_4, %dma_wait3A_122] : memref<10000x32xf32, #tpu.memory_space<vmem_shared>> -> memref<625x32xf32, #tpu.memory_space<vmem_shared>>
      %dma_wait3A_124 = arith.constant 0 : i32
      %dma_wait3A_125 = tpu.memref_slice %arg4[%mul3A_2, %dma_wait3A_124] : memref<10000x32xf32, #tpu.memory_space<hbm>> -> memref<625x32xf32, #tpu.memory_space<hbm>>
      tpu.wait_dma2 semaphore(%run_scoped3A : memref<!tpu.dma_semaphore, #tpu.memory_space<semaphore_mem>>) src(%dma_wait3A_125 : memref<625x32xf32, #tpu.memory_space<hbm>>) dst(%dma_wait3A_123 : memref<625x32xf32, #tpu.memory_space<vmem_shared>>)
      tpu.yield
    }) : () -> ()
    %mul3A_5 = arith.constant 5000 : i32
    %mul3A_6 = arith.muli %add3A, %mul3A_5 : i32
    %add3A_7 = arith.constant 0 : i32
    %add3A_8 = arith.addi %mul3A_6, %add3A_7 : i32
    "tpu.region"() ({
      %run_scoped3A = tpu.sem_alloc : memref<!tpu.dma_semaphore, #tpu.memory_space<semaphore_mem>>
      %dma_start3A_118 = tpu.memref_slice %arg3[%add3A_8] : memref<160000xi32, #tpu.memory_space<hbm>> -> memref<1000xi32, #tpu.memory_space<hbm>>
      %dma_start3A_119 = tpu.memref_slice %arg3[%add3A_8] : memref<160000xi32, #tpu.memory_space<hbm>> -> memref<1000xi32, #tpu.memory_space<hbm>>
      tpu.enqueue_dma source(%dma_start3A_119 : memref<1000xi32, #tpu.memory_space<hbm>>) target(%arg6 : memref<1000xi32, #tpu.memory_space<vmem>>) target_semaphore(%run_scoped3A : memref<!tpu.dma_semaphore, #tpu.memory_space<semaphore_mem>>)
      %dma_wait3A_120 = tpu.memref_slice %arg3[%add3A_8] : memref<160000xi32, #tpu.memory_space<hbm>> -> memref<1000xi32, #tpu.memory_space<hbm>>
      %dma_wait3A_121 = tpu.memref_slice %arg3[%add3A_8] : memref<160000xi32, #tpu.memory_space<hbm>> -> memref<1000xi32, #tpu.memory_space<hbm>>
      tpu.wait_dma2 semaphore(%run_scoped3A : memref<!tpu.dma_semaphore, #tpu.memory_space<semaphore_mem>>) src(%dma_wait3A_121 : memref<1000xi32, #tpu.memory_space<hbm>>) dst(%arg6 : memref<1000xi32, #tpu.memory_space<vmem>>)
      tpu.yield
    }) : () -> ()
    %mul3A_9 = arith.constant 5000 : i32
    %mul3A_10 = arith.muli %add3A, %mul3A_9 : i32
    %add3A_11 = arith.constant 1000 : i32
    %add3A_12 = arith.addi %mul3A_10, %add3A_11 : i32
    "tpu.region"() ({
      %run_scoped3A = tpu.sem_alloc : memref<!tpu.dma_semaphore, #tpu.memory_space<semaphore_mem>>
      %dma_start3A_118 = tpu.memref_slice %arg3[%add3A_12] : memref<160000xi32, #tpu.memory_space<hbm>> -> memref<1000xi32, #tpu.memory_space<hbm>>
      %dma_start3A_119 = tpu.memref_slice %arg3[%add3A_12] : memref<160000xi32, #tpu.memory_space<hbm>> -> memref<1000xi32, #tpu.memory_space<hbm>>
      tpu.enqueue_dma source(%dma_start3A_119 : memref<1000xi32, #tpu.memory_space<hbm>>) target(%arg7 : memref<1000xi32, #tpu.memory_space<vmem>>) target_semaphore(%run_scoped3A : memref<!tpu.dma_semaphore, #tpu.memory_space<semaphore_mem>>)
      %dma_wait3A_120 = tpu.memref_slice %arg3[%add3A_12] : memref<160000xi32, #tpu.memory_space<hbm>> -> memref<1000xi32, #tpu.memory_space<hbm>>
      %dma_wait3A_121 = tpu.memref_slice %arg3[%add3A_12] : memref<160000xi32, #tpu.memory_space<hbm>> -> memref<1000xi32, #tpu.memory_space<hbm>>
      tpu.wait_dma2 semaphore(%run_scoped3A : memref<!tpu.dma_semaphore, #tpu.memory_space<semaphore_mem>>) src(%dma_wait3A_121 : memref<1000xi32, #tpu.memory_space<hbm>>) dst(%arg7 : memref<1000xi32, #tpu.memory_space<vmem>>)
      tpu.yield
    }) : () -> ()
    %mul3A_13 = arith.constant 5000 : i32
    %mul3A_14 = arith.muli %add3A, %mul3A_13 : i32
    %add3A_15 = arith.constant 2000 : i32
    %add3A_16 = arith.addi %mul3A_14, %add3A_15 : i32
    "tpu.region"() ({
      %run_scoped3A = tpu.sem_alloc : memref<!tpu.dma_semaphore, #tpu.memory_space<semaphore_mem>>
      %dma_start3A_118 = tpu.memref_slice %arg3[%add3A_16] : memref<160000xi32, #tpu.memory_space<hbm>> -> memref<1000xi32, #tpu.memory_space<hbm>>
      %dma_start3A_119 = tpu.memref_slice %arg3[%add3A_16] : memref<160000xi32, #tpu.memory_space<hbm>> -> memref<1000xi32, #tpu.memory_space<hbm>>
      tpu.enqueue_dma source(%dma_start3A_119 : memref<1000xi32, #tpu.memory_space<hbm>>) target(%arg8 : memref<1000xi32, #tpu.memory_space<vmem>>) target_semaphore(%run_scoped3A : memref<!tpu.dma_semaphore, #tpu.memory_space<semaphore_mem>>)
      %dma_wait3A_120 = tpu.memref_slice %arg3[%add3A_16] : memref<160000xi32, #tpu.memory_space<hbm>> -> memref<1000xi32, #tpu.memory_space<hbm>>
      %dma_wait3A_121 = tpu.memref_slice %arg3[%add3A_16] : memref<160000xi32, #tpu.memory_space<hbm>> -> memref<1000xi32, #tpu.memory_space<hbm>>
      tpu.wait_dma2 semaphore(%run_scoped3A : memref<!tpu.dma_semaphore, #tpu.memory_space<semaphore_mem>>) src(%dma_wait3A_121 : memref<1000xi32, #tpu.memory_space<hbm>>) dst(%arg8 : memref<1000xi32, #tpu.memory_space<vmem>>)
      tpu.yield
    }) : () -> ()
    %mul3A_17 = arith.constant 5000 : i32
    %mul3A_18 = arith.muli %add3A, %mul3A_17 : i32
    %add3A_19 = arith.constant 3000 : i32
    %add3A_20 = arith.addi %mul3A_18, %add3A_19 : i32
    "tpu.region"() ({
      %run_scoped3A = tpu.sem_alloc : memref<!tpu.dma_semaphore, #tpu.memory_space<semaphore_mem>>
      %dma_start3A_118 = tpu.memref_slice %arg3[%add3A_20] : memref<160000xi32, #tpu.memory_space<hbm>> -> memref<1000xi32, #tpu.memory_space<hbm>>
      %dma_start3A_119 = tpu.memref_slice %arg3[%add3A_20] : memref<160000xi32, #tpu.memory_space<hbm>> -> memref<1000xi32, #tpu.memory_space<hbm>>
      tpu.enqueue_dma source(%dma_start3A_119 : memref<1000xi32, #tpu.memory_space<hbm>>) target(%arg9 : memref<1000xi32, #tpu.memory_space<vmem>>) target_semaphore(%run_scoped3A : memref<!tpu.dma_semaphore, #tpu.memory_space<semaphore_mem>>)
      %dma_wait3A_120 = tpu.memref_slice %arg3[%add3A_20] : memref<160000xi32, #tpu.memory_space<hbm>> -> memref<1000xi32, #tpu.memory_space<hbm>>
      %dma_wait3A_121 = tpu.memref_slice %arg3[%add3A_20] : memref<160000xi32, #tpu.memory_space<hbm>> -> memref<1000xi32, #tpu.memory_space<hbm>>
      tpu.wait_dma2 semaphore(%run_scoped3A : memref<!tpu.dma_semaphore, #tpu.memory_space<semaphore_mem>>) src(%dma_wait3A_121 : memref<1000xi32, #tpu.memory_space<hbm>>) dst(%arg9 : memref<1000xi32, #tpu.memory_space<vmem>>)
      tpu.yield
    }) : () -> ()
    %mul3A_21 = arith.constant 5000 : i32
    %mul3A_22 = arith.muli %add3A, %mul3A_21 : i32
    %add3A_23 = arith.constant 4000 : i32
    %add3A_24 = arith.addi %mul3A_22, %add3A_23 : i32
    "tpu.region"() ({
      %run_scoped3A = tpu.sem_alloc : memref<!tpu.dma_semaphore, #tpu.memory_space<semaphore_mem>>
      %dma_start3A_118 = tpu.memref_slice %arg3[%add3A_24] : memref<160000xi32, #tpu.memory_space<hbm>> -> memref<1000xi32, #tpu.memory_space<hbm>>
      %dma_start3A_119 = tpu.memref_slice %arg3[%add3A_24] : memref<160000xi32, #tpu.memory_space<hbm>> -> memref<1000xi32, #tpu.memory_space<hbm>>
      tpu.enqueue_dma source(%dma_start3A_119 : memref<1000xi32, #tpu.memory_space<hbm>>) target(%arg10 : memref<1000xi32, #tpu.memory_space<vmem>>) target_semaphore(%run_scoped3A : memref<!tpu.dma_semaphore, #tpu.memory_space<semaphore_mem>>)
      %dma_wait3A_120 = tpu.memref_slice %arg3[%add3A_24] : memref<160000xi32, #tpu.memory_space<hbm>> -> memref<1000xi32, #tpu.memory_space<hbm>>
      %dma_wait3A_121 = tpu.memref_slice %arg3[%add3A_24] : memref<160000xi32, #tpu.memory_space<hbm>> -> memref<1000xi32, #tpu.memory_space<hbm>>
      tpu.wait_dma2 semaphore(%run_scoped3A : memref<!tpu.dma_semaphore, #tpu.memory_space<semaphore_mem>>) src(%dma_wait3A_121 : memref<1000xi32, #tpu.memory_space<hbm>>) dst(%arg10 : memref<1000xi32, #tpu.memory_space<vmem>>)
      tpu.yield
    }) : () -> ()
    %barrier3A = arith.constant 0 : index
    tpu.barrier barrier_id(%barrier3A)
    %mul3A_25 = arith.constant 5000 : i32
    %mul3A_26 = arith.muli %add3A, %mul3A_25 : i32
    %add3A_27 = arith.constant 0 : i32
    %add3A_28 = arith.addi %mul3A_26, %add3A_27 : i32
    %dma_start3A = arith.constant 0 : i32
    %dma_start3A_29 = tpu.memref_slice %arg2[%add3A_28, %dma_start3A] : memref<160000x32xf32, #tpu.memory_space<hbm>> -> memref<1000x32xf32, #tpu.memory_space<hbm>>
    %dma_start3A_30 = arith.constant 0 : i32
    %dma_start3A_31 = tpu.memref_slice %arg2[%add3A_28, %dma_start3A_30] : memref<160000x32xf32, #tpu.memory_space<hbm>> -> memref<1000x32xf32, #tpu.memory_space<hbm>>
    tpu.enqueue_dma source(%dma_start3A_31 : memref<1000x32xf32, #tpu.memory_space<hbm>>) target(%arg11 : memref<1000x32xf32, #tpu.memory_space<vmem>>) target_semaphore(%arg15 : memref<!tpu.dma_semaphore, #tpu.memory_space<semaphore_mem>>)
    %mul3A_32 = arith.constant 5000 : i32
    %mul3A_33 = arith.muli %add3A, %mul3A_32 : i32
    %add3A_34 = arith.constant 1000 : i32
    %add3A_35 = arith.addi %mul3A_33, %add3A_34 : i32
    %dma_start3A_36 = arith.constant 0 : i32
    %dma_start3A_37 = tpu.memref_slice %arg2[%add3A_35, %dma_start3A_36] : memref<160000x32xf32, #tpu.memory_space<hbm>> -> memref<1000x32xf32, #tpu.memory_space<hbm>>
    %dma_start3A_38 = arith.constant 0 : i32
    %dma_start3A_39 = tpu.memref_slice %arg2[%add3A_35, %dma_start3A_38] : memref<160000x32xf32, #tpu.memory_space<hbm>> -> memref<1000x32xf32, #tpu.memory_space<hbm>>
    tpu.enqueue_dma source(%dma_start3A_39 : memref<1000x32xf32, #tpu.memory_space<hbm>>) target(%arg12 : memref<1000x32xf32, #tpu.memory_space<vmem>>) target_semaphore(%arg16 : memref<!tpu.dma_semaphore, #tpu.memory_space<semaphore_mem>>)
    %dma_wait3A = arith.constant 0 : i32
    %dma_wait3A_40 = tpu.memref_slice %arg2[%add3A_28, %dma_wait3A] : memref<160000x32xf32, #tpu.memory_space<hbm>> -> memref<1000x32xf32, #tpu.memory_space<hbm>>
    %dma_wait3A_41 = arith.constant 0 : i32
    %dma_wait3A_42 = tpu.memref_slice %arg2[%add3A_28, %dma_wait3A_41] : memref<160000x32xf32, #tpu.memory_space<hbm>> -> memref<1000x32xf32, #tpu.memory_space<hbm>>
    tpu.wait_dma2 semaphore(%arg15 : memref<!tpu.dma_semaphore, #tpu.memory_space<semaphore_mem>>) src(%dma_wait3A_42 : memref<1000x32xf32, #tpu.memory_space<hbm>>) dst(%arg11 : memref<1000x32xf32, #tpu.memory_space<vmem>>)
    %dma_start3A_43 = arith.constant 0 : i32
    %dma_start3A_44 = arith.constant 0 : i32
    %dma_start3A_45 = tpu.memref_slice %arg14[%dma_start3A_43, %dma_start3A_44] : memref<10000x32xf32, #tpu.memory_space<vmem_shared>> -> memref<10000x32xf32, #tpu.memory_space<vmem_shared>>
    tpu.enqueue_indirect_dma source(%arg11 : memref<1000x32xf32, #tpu.memory_space<vmem>>) target(%dma_start3A_45 : memref<10000x32xf32, #tpu.memory_space<vmem_shared>>) offsets(%arg6 : memref<1000xi32, #tpu.memory_space<vmem>>) semaphore(%arg18 : memref<!tpu.dma_semaphore, #tpu.memory_space<semaphore_mem>>) {add = true}
    %mul3A_46 = arith.constant 5000 : i32
    %mul3A_47 = arith.muli %add3A, %mul3A_46 : i32
    %add3A_48 = arith.constant 2000 : i32
    %add3A_49 = arith.addi %mul3A_47, %add3A_48 : i32
    %dma_start3A_50 = arith.constant 0 : i32
    %dma_start3A_51 = tpu.memref_slice %arg2[%add3A_49, %dma_start3A_50] : memref<160000x32xf32, #tpu.memory_space<hbm>> -> memref<1000x32xf32, #tpu.memory_space<hbm>>
    %dma_start3A_52 = arith.constant 0 : i32
    %dma_start3A_53 = tpu.memref_slice %arg2[%add3A_49, %dma_start3A_52] : memref<160000x32xf32, #tpu.memory_space<hbm>> -> memref<1000x32xf32, #tpu.memory_space<hbm>>
    tpu.enqueue_dma source(%dma_start3A_53 : memref<1000x32xf32, #tpu.memory_space<hbm>>) target(%arg13 : memref<1000x32xf32, #tpu.memory_space<vmem>>) target_semaphore(%arg17 : memref<!tpu.dma_semaphore, #tpu.memory_space<semaphore_mem>>)
    %dma_wait3A_54 = arith.constant 0 : i32
    %dma_wait3A_55 = tpu.memref_slice %arg2[%add3A_35, %dma_wait3A_54] : memref<160000x32xf32, #tpu.memory_space<hbm>> -> memref<1000x32xf32, #tpu.memory_space<hbm>>
    %dma_wait3A_56 = arith.constant 0 : i32
    %dma_wait3A_57 = tpu.memref_slice %arg2[%add3A_35, %dma_wait3A_56] : memref<160000x32xf32, #tpu.memory_space<hbm>> -> memref<1000x32xf32, #tpu.memory_space<hbm>>
    tpu.wait_dma2 semaphore(%arg16 : memref<!tpu.dma_semaphore, #tpu.memory_space<semaphore_mem>>) src(%dma_wait3A_57 : memref<1000x32xf32, #tpu.memory_space<hbm>>) dst(%arg12 : memref<1000x32xf32, #tpu.memory_space<vmem>>)
    %dma_start3A_58 = arith.constant 0 : i32
    %dma_start3A_59 = arith.constant 0 : i32
    %dma_start3A_60 = tpu.memref_slice %arg14[%dma_start3A_58, %dma_start3A_59] : memref<10000x32xf32, #tpu.memory_space<vmem_shared>> -> memref<10000x32xf32, #tpu.memory_space<vmem_shared>>
    tpu.enqueue_indirect_dma source(%arg12 : memref<1000x32xf32, #tpu.memory_space<vmem>>) target(%dma_start3A_60 : memref<10000x32xf32, #tpu.memory_space<vmem_shared>>) offsets(%arg7 : memref<1000xi32, #tpu.memory_space<vmem>>) semaphore(%arg19 : memref<!tpu.dma_semaphore, #tpu.memory_space<semaphore_mem>>) {add = true}
    %dma_wait3A_61 = arith.constant 0 : i32
    %dma_wait3A_62 = arith.constant 0 : i32
    %dma_wait3A_63 = tpu.memref_slice %arg14[%dma_wait3A_61, %dma_wait3A_62] : memref<10000x32xf32, #tpu.memory_space<vmem_shared>> -> memref<10000x32xf32, #tpu.memory_space<vmem_shared>>
    tpu.wait_indirect_dma semaphore(%arg18 : memref<!tpu.dma_semaphore, #tpu.memory_space<semaphore_mem>>) src(%arg11 : memref<1000x32xf32, #tpu.memory_space<vmem>>) dst(%dma_wait3A_63 : memref<10000x32xf32, #tpu.memory_space<vmem_shared>>)
    %mul3A_64 = arith.constant 5000 : i32
    %mul3A_65 = arith.muli %add3A, %mul3A_64 : i32
    %add3A_66 = arith.constant 3000 : i32
    %add3A_67 = arith.addi %mul3A_65, %add3A_66 : i32
    %dma_start3A_68 = arith.constant 0 : i32
    %dma_start3A_69 = tpu.memref_slice %arg2[%add3A_67, %dma_start3A_68] : memref<160000x32xf32, #tpu.memory_space<hbm>> -> memref<1000x32xf32, #tpu.memory_space<hbm>>
    %dma_start3A_70 = arith.constant 0 : i32
    %dma_start3A_71 = tpu.memref_slice %arg2[%add3A_67, %dma_start3A_70] : memref<160000x32xf32, #tpu.memory_space<hbm>> -> memref<1000x32xf32, #tpu.memory_space<hbm>>
    tpu.enqueue_dma source(%dma_start3A_71 : memref<1000x32xf32, #tpu.memory_space<hbm>>) target(%arg11 : memref<1000x32xf32, #tpu.memory_space<vmem>>) target_semaphore(%arg15 : memref<!tpu.dma_semaphore, #tpu.memory_space<semaphore_mem>>)
    %dma_wait3A_72 = arith.constant 0 : i32
    %dma_wait3A_73 = tpu.memref_slice %arg2[%add3A_49, %dma_wait3A_72] : memref<160000x32xf32, #tpu.memory_space<hbm>> -> memref<1000x32xf32, #tpu.memory_space<hbm>>
    %dma_wait3A_74 = arith.constant 0 : i32
    %dma_wait3A_75 = tpu.memref_slice %arg2[%add3A_49, %dma_wait3A_74] : memref<160000x32xf32, #tpu.memory_space<hbm>> -> memref<1000x32xf32, #tpu.memory_space<hbm>>
    tpu.wait_dma2 semaphore(%arg17 : memref<!tpu.dma_semaphore, #tpu.memory_space<semaphore_mem>>) src(%dma_wait3A_75 : memref<1000x32xf32, #tpu.memory_space<hbm>>) dst(%arg13 : memref<1000x32xf32, #tpu.memory_space<vmem>>)
    %dma_start3A_76 = arith.constant 0 : i32
    %dma_start3A_77 = arith.constant 0 : i32
    %dma_start3A_78 = tpu.memref_slice %arg14[%dma_start3A_76, %dma_start3A_77] : memref<10000x32xf32, #tpu.memory_space<vmem_shared>> -> memref<10000x32xf32, #tpu.memory_space<vmem_shared>>
    tpu.enqueue_indirect_dma source(%arg13 : memref<1000x32xf32, #tpu.memory_space<vmem>>) target(%dma_start3A_78 : memref<10000x32xf32, #tpu.memory_space<vmem_shared>>) offsets(%arg8 : memref<1000xi32, #tpu.memory_space<vmem>>) semaphore(%arg20 : memref<!tpu.dma_semaphore, #tpu.memory_space<semaphore_mem>>) {add = true}
    %dma_wait3A_79 = arith.constant 0 : i32
    %dma_wait3A_80 = arith.constant 0 : i32
    %dma_wait3A_81 = tpu.memref_slice %arg14[%dma_wait3A_79, %dma_wait3A_80] : memref<10000x32xf32, #tpu.memory_space<vmem_shared>> -> memref<10000x32xf32, #tpu.memory_space<vmem_shared>>
    tpu.wait_indirect_dma semaphore(%arg19 : memref<!tpu.dma_semaphore, #tpu.memory_space<semaphore_mem>>) src(%arg12 : memref<1000x32xf32, #tpu.memory_space<vmem>>) dst(%dma_wait3A_81 : memref<10000x32xf32, #tpu.memory_space<vmem_shared>>)
    %mul3A_82 = arith.constant 5000 : i32
    %mul3A_83 = arith.muli %add3A, %mul3A_82 : i32
    %add3A_84 = arith.constant 4000 : i32
    %add3A_85 = arith.addi %mul3A_83, %add3A_84 : i32
    %dma_start3A_86 = arith.constant 0 : i32
    %dma_start3A_87 = tpu.memref_slice %arg2[%add3A_85, %dma_start3A_86] : memref<160000x32xf32, #tpu.memory_space<hbm>> -> memref<1000x32xf32, #tpu.memory_space<hbm>>
    %dma_start3A_88 = arith.constant 0 : i32
    %dma_start3A_89 = tpu.memref_slice %arg2[%add3A_85, %dma_start3A_88] : memref<160000x32xf32, #tpu.memory_space<hbm>> -> memref<1000x32xf32, #tpu.memory_space<hbm>>
    tpu.enqueue_dma source(%dma_start3A_89 : memref<1000x32xf32, #tpu.memory_space<hbm>>) target(%arg12 : memref<1000x32xf32, #tpu.memory_space<vmem>>) target_semaphore(%arg16 : memref<!tpu.dma_semaphore, #tpu.memory_space<semaphore_mem>>)
    %dma_wait3A_90 = arith.constant 0 : i32
    %dma_wait3A_91 = tpu.memref_slice %arg2[%add3A_67, %dma_wait3A_90] : memref<160000x32xf32, #tpu.memory_space<hbm>> -> memref<1000x32xf32, #tpu.memory_space<hbm>>
    %dma_wait3A_92 = arith.constant 0 : i32
    %dma_wait3A_93 = tpu.memref_slice %arg2[%add3A_67, %dma_wait3A_92] : memref<160000x32xf32, #tpu.memory_space<hbm>> -> memref<1000x32xf32, #tpu.memory_space<hbm>>
    tpu.wait_dma2 semaphore(%arg15 : memref<!tpu.dma_semaphore, #tpu.memory_space<semaphore_mem>>) src(%dma_wait3A_93 : memref<1000x32xf32, #tpu.memory_space<hbm>>) dst(%arg11 : memref<1000x32xf32, #tpu.memory_space<vmem>>)
    %dma_start3A_94 = arith.constant 0 : i32
    %dma_start3A_95 = arith.constant 0 : i32
    %dma_start3A_96 = tpu.memref_slice %arg14[%dma_start3A_94, %dma_start3A_95] : memref<10000x32xf32, #tpu.memory_space<vmem_shared>> -> memref<10000x32xf32, #tpu.memory_space<vmem_shared>>
    tpu.enqueue_indirect_dma source(%arg11 : memref<1000x32xf32, #tpu.memory_space<vmem>>) target(%dma_start3A_96 : memref<10000x32xf32, #tpu.memory_space<vmem_shared>>) offsets(%arg9 : memref<1000xi32, #tpu.memory_space<vmem>>) semaphore(%arg18 : memref<!tpu.dma_semaphore, #tpu.memory_space<semaphore_mem>>) {add = true}
    %dma_wait3A_97 = arith.constant 0 : i32
    %dma_wait3A_98 = tpu.memref_slice %arg2[%add3A_85, %dma_wait3A_97] : memref<160000x32xf32, #tpu.memory_space<hbm>> -> memref<1000x32xf32, #tpu.memory_space<hbm>>
    %dma_wait3A_99 = arith.constant 0 : i32
    %dma_wait3A_100 = tpu.memref_slice %arg2[%add3A_85, %dma_wait3A_99] : memref<160000x32xf32, #tpu.memory_space<hbm>> -> memref<1000x32xf32, #tpu.memory_space<hbm>>
    tpu.wait_dma2 semaphore(%arg16 : memref<!tpu.dma_semaphore, #tpu.memory_space<semaphore_mem>>) src(%dma_wait3A_100 : memref<1000x32xf32, #tpu.memory_space<hbm>>) dst(%arg12 : memref<1000x32xf32, #tpu.memory_space<vmem>>)
    %dma_start3A_101 = arith.constant 0 : i32
    %dma_start3A_102 = arith.constant 0 : i32
    %dma_start3A_103 = tpu.memref_slice %arg14[%dma_start3A_101, %dma_start3A_102] : memref<10000x32xf32, #tpu.memory_space<vmem_shared>> -> memref<10000x32xf32, #tpu.memory_space<vmem_shared>>
    tpu.enqueue_indirect_dma source(%arg12 : memref<1000x32xf32, #tpu.memory_space<vmem>>) target(%dma_start3A_103 : memref<10000x32xf32, #tpu.memory_space<vmem_shared>>) offsets(%arg10 : memref<1000xi32, #tpu.memory_space<vmem>>) semaphore(%arg19 : memref<!tpu.dma_semaphore, #tpu.memory_space<semaphore_mem>>) {add = true}
    %dma_wait3A_104 = arith.constant 0 : i32
    %dma_wait3A_105 = arith.constant 0 : i32
    %dma_wait3A_106 = tpu.memref_slice %arg14[%dma_wait3A_104, %dma_wait3A_105] : memref<10000x32xf32, #tpu.memory_space<vmem_shared>> -> memref<10000x32xf32, #tpu.memory_space<vmem_shared>>
    tpu.wait_indirect_dma semaphore(%arg20 : memref<!tpu.dma_semaphore, #tpu.memory_space<semaphore_mem>>) src(%arg13 : memref<1000x32xf32, #tpu.memory_space<vmem>>) dst(%dma_wait3A_106 : memref<10000x32xf32, #tpu.memory_space<vmem_shared>>)
    %dma_wait3A_107 = arith.constant 0 : i32
    %dma_wait3A_108 = arith.constant 0 : i32
    %dma_wait3A_109 = tpu.memref_slice %arg14[%dma_wait3A_107, %dma_wait3A_108] : memref<10000x32xf32, #tpu.memory_space<vmem_shared>> -> memref<10000x32xf32, #tpu.memory_space<vmem_shared>>
    tpu.wait_indirect_dma semaphore(%arg18 : memref<!tpu.dma_semaphore, #tpu.memory_space<semaphore_mem>>) src(%arg11 : memref<1000x32xf32, #tpu.memory_space<vmem>>) dst(%dma_wait3A_109 : memref<10000x32xf32, #tpu.memory_space<vmem_shared>>)
    %dma_wait3A_110 = arith.constant 0 : i32
    %dma_wait3A_111 = arith.constant 0 : i32
    %dma_wait3A_112 = tpu.memref_slice %arg14[%dma_wait3A_110, %dma_wait3A_111] : memref<10000x32xf32, #tpu.memory_space<vmem_shared>> -> memref<10000x32xf32, #tpu.memory_space<vmem_shared>>
    tpu.wait_indirect_dma semaphore(%arg19 : memref<!tpu.dma_semaphore, #tpu.memory_space<semaphore_mem>>) src(%arg12 : memref<1000x32xf32, #tpu.memory_space<vmem>>) dst(%dma_wait3A_112 : memref<10000x32xf32, #tpu.memory_space<vmem_shared>>)
    %barrier3A_113 = arith.constant 0 : index
    tpu.barrier barrier_id(%barrier3A_113)
    %mul3A_114 = arith.constant 625 : i32
    %mul3A_115 = arith.muli %arg1, %mul3A_114 : i32
    %mul3A_116 = arith.constant 625 : i32
    %mul3A_117 = arith.muli %arg1, %mul3A_116 : i32
    "tpu.region"() ({
      %run_scoped3A = tpu.sem_alloc : memref<!tpu.dma_semaphore, #tpu.memory_space<semaphore_mem>>
      %dma_start3A_118 = arith.constant 0 : i32
      %dma_start3A_119 = arith.constant 0 : i32
      %dma_start3A_120 = tpu.memref_slice %arg5[%arg0, %dma_start3A_118, %dma_start3A_119] : memref<2x10000x32xf32, #tpu.memory_space<hbm>> -> memref<1x10000x32xf32, #tpu.memory_space<hbm>>
      %dma_start3A_121 = tpu.memref_squeeze %dma_start3A_120 : memref<1x10000x32xf32, #tpu.memory_space<hbm>> -> memref<10000x32xf32, #tpu.memory_space<hbm>>
      %dma_start3A_122 = arith.constant 0 : i32
      %dma_start3A_123 = tpu.memref_slice %dma_start3A_121[%mul3A_117, %dma_start3A_122] : memref<10000x32xf32, #tpu.memory_space<hbm>> -> memref<625x32xf32, #tpu.memory_space<hbm>>
      %dma_start3A_124 = arith.constant 0 : i32
      %dma_start3A_125 = tpu.memref_slice %arg14[%mul3A_115, %dma_start3A_124] : memref<10000x32xf32, #tpu.memory_space<vmem_shared>> -> memref<625x32xf32, #tpu.memory_space<vmem_shared>>
      tpu.enqueue_dma source(%dma_start3A_125 : memref<625x32xf32, #tpu.memory_space<vmem_shared>>) target(%dma_start3A_123 : memref<625x32xf32, #tpu.memory_space<hbm>>) target_semaphore(%run_scoped3A : memref<!tpu.dma_semaphore, #tpu.memory_space<semaphore_mem>>)
      %dma_wait3A_126 = arith.constant 0 : i32
      %dma_wait3A_127 = arith.constant 0 : i32
      %dma_wait3A_128 = tpu.memref_slice %arg5[%arg0, %dma_wait3A_126, %dma_wait3A_127] : memref<2x10000x32xf32, #tpu.memory_space<hbm>> -> memref<1x10000x32xf32, #tpu.memory_space<hbm>>
      %dma_wait3A_129 = tpu.memref_squeeze %dma_wait3A_128 : memref<1x10000x32xf32, #tpu.memory_space<hbm>> -> memref<10000x32xf32, #tpu.memory_space<hbm>>
      %dma_wait3A_130 = arith.constant 0 : i32
      %dma_wait3A_131 = tpu.memref_slice %dma_wait3A_129[%mul3A_117, %dma_wait3A_130] : memref<10000x32xf32, #tpu.memory_space<hbm>> -> memref<625x32xf32, #tpu.memory_space<hbm>>
      %dma_wait3A_132 = arith.constant 0 : i32
      %dma_wait3A_133 = tpu.memref_slice %arg14[%mul3A_115, %dma_wait3A_132] : memref<10000x32xf32, #tpu.memory_space<vmem_shared>> -> memref<625x32xf32, #tpu.memory_space<vmem_shared>>
      tpu.wait_dma2 semaphore(%run_scoped3A : memref<!tpu.dma_semaphore, #tpu.memory_space<semaphore_mem>>) src(%dma_wait3A_133 : memref<625x32xf32, #tpu.memory_space<vmem_shared>>) dst(%dma_wait3A_131 : memref<625x32xf32, #tpu.memory_space<hbm>>)
      tpu.yield
    }) : () -> ()
    return
  }
}

#map = affine_map<(d0, d1) -> (0, 0)>
#map1 = affine_map<(d0, d1) -> (0)>
module attributes {stable_mosaic.version = 14 : i64} {
  func.func @gather_k(%arg0: i32, %arg1: i32, %arg2: memref<10000x32xf32, #tpu.memory_space<hbm>>, %arg3: memref<160000xi32, #tpu.memory_space<hbm>>, %arg4: memref<160000x32xf32, #tpu.memory_space<hbm>>, %arg5: memref<1000xi32, #tpu.memory_space<vmem>>, %arg6: memref<1000xi32, #tpu.memory_space<vmem>>, %arg7: memref<1000xi32, #tpu.memory_space<vmem>>, %arg8: memref<1000xi32, #tpu.memory_space<vmem>>, %arg9: memref<1000xi32, #tpu.memory_space<vmem>>, %arg10: memref<1000x32xf32, #tpu.memory_space<vmem>>, %arg11: memref<1000x32xf32, #tpu.memory_space<vmem>>, %arg12: memref<1000x32xf32, #tpu.memory_space<vmem>>, %arg13: memref<!tpu.dma_semaphore, #tpu.memory_space<semaphore_mem>>, %arg14: memref<!tpu.dma_semaphore, #tpu.memory_space<semaphore_mem>>, %arg15: memref<!tpu.dma_semaphore, #tpu.memory_space<semaphore_mem>>, %arg16: memref<!tpu.dma_semaphore, #tpu.memory_space<semaphore_mem>>, %arg17: memref<!tpu.dma_semaphore, #tpu.memory_space<semaphore_mem>>, %arg18: memref<!tpu.dma_semaphore, #tpu.memory_space<semaphore_mem>>) attributes {dimension_semantics = [#tpu.dimension_semantics<core_parallel>, #tpu.dimension_semantics<subcore_parallel>], iteration_bounds = array<i64: 2, 16>, scalar_prefetch = 0 : i64, scratch_operands = 14 : i64, tpu.core_type = #tpu.core_type<sc_vector_subcore>, window_params = [{transform_indices = #map}, {transform_indices = #map1}, {transform_indices = #map}]} {
    %mul3A = arith.constant 2 : i32
    %mul3A_0 = arith.muli %arg1, %mul3A : i32
    %add3A = arith.addi %mul3A_0, %arg0 : i32
    %mul3A_1 = arith.constant 5000 : i32
    %mul3A_2 = arith.muli %add3A, %mul3A_1 : i32
    %add3A_3 = arith.constant 0 : i32
    %add3A_4 = arith.addi %mul3A_2, %add3A_3 : i32
    "tpu.region"() ({
      %run_scoped3A = tpu.sem_alloc : memref<!tpu.dma_semaphore, #tpu.memory_space<semaphore_mem>>
      %dma_start3A_109 = tpu.memref_slice %arg3[%add3A_4] : memref<160000xi32, #tpu.memory_space<hbm>> -> memref<1000xi32, #tpu.memory_space<hbm>>
      %dma_start3A_110 = tpu.memref_slice %arg3[%add3A_4] : memref<160000xi32, #tpu.memory_space<hbm>> -> memref<1000xi32, #tpu.memory_space<hbm>>
      tpu.enqueue_dma source(%dma_start3A_110 : memref<1000xi32, #tpu.memory_space<hbm>>) target(%arg5 : memref<1000xi32, #tpu.memory_space<vmem>>) target_semaphore(%run_scoped3A : memref<!tpu.dma_semaphore, #tpu.memory_space<semaphore_mem>>)
      %dma_wait3A_111 = tpu.memref_slice %arg3[%add3A_4] : memref<160000xi32, #tpu.memory_space<hbm>> -> memref<1000xi32, #tpu.memory_space<hbm>>
      %dma_wait3A_112 = tpu.memref_slice %arg3[%add3A_4] : memref<160000xi32, #tpu.memory_space<hbm>> -> memref<1000xi32, #tpu.memory_space<hbm>>
      tpu.wait_dma2 semaphore(%run_scoped3A : memref<!tpu.dma_semaphore, #tpu.memory_space<semaphore_mem>>) src(%dma_wait3A_112 : memref<1000xi32, #tpu.memory_space<hbm>>) dst(%arg5 : memref<1000xi32, #tpu.memory_space<vmem>>)
      tpu.yield
    }) : () -> ()
    %mul3A_5 = arith.constant 5000 : i32
    %mul3A_6 = arith.muli %add3A, %mul3A_5 : i32
    %add3A_7 = arith.constant 1000 : i32
    %add3A_8 = arith.addi %mul3A_6, %add3A_7 : i32
    "tpu.region"() ({
      %run_scoped3A = tpu.sem_alloc : memref<!tpu.dma_semaphore, #tpu.memory_space<semaphore_mem>>
      %dma_start3A_109 = tpu.memref_slice %arg3[%add3A_8] : memref<160000xi32, #tpu.memory_space<hbm>> -> memref<1000xi32, #tpu.memory_space<hbm>>
      %dma_start3A_110 = tpu.memref_slice %arg3[%add3A_8] : memref<160000xi32, #tpu.memory_space<hbm>> -> memref<1000xi32, #tpu.memory_space<hbm>>
      tpu.enqueue_dma source(%dma_start3A_110 : memref<1000xi32, #tpu.memory_space<hbm>>) target(%arg6 : memref<1000xi32, #tpu.memory_space<vmem>>) target_semaphore(%run_scoped3A : memref<!tpu.dma_semaphore, #tpu.memory_space<semaphore_mem>>)
      %dma_wait3A_111 = tpu.memref_slice %arg3[%add3A_8] : memref<160000xi32, #tpu.memory_space<hbm>> -> memref<1000xi32, #tpu.memory_space<hbm>>
      %dma_wait3A_112 = tpu.memref_slice %arg3[%add3A_8] : memref<160000xi32, #tpu.memory_space<hbm>> -> memref<1000xi32, #tpu.memory_space<hbm>>
      tpu.wait_dma2 semaphore(%run_scoped3A : memref<!tpu.dma_semaphore, #tpu.memory_space<semaphore_mem>>) src(%dma_wait3A_112 : memref<1000xi32, #tpu.memory_space<hbm>>) dst(%arg6 : memref<1000xi32, #tpu.memory_space<vmem>>)
      tpu.yield
    }) : () -> ()
    %mul3A_9 = arith.constant 5000 : i32
    %mul3A_10 = arith.muli %add3A, %mul3A_9 : i32
    %add3A_11 = arith.constant 2000 : i32
    %add3A_12 = arith.addi %mul3A_10, %add3A_11 : i32
    "tpu.region"() ({
      %run_scoped3A = tpu.sem_alloc : memref<!tpu.dma_semaphore, #tpu.memory_space<semaphore_mem>>
      %dma_start3A_109 = tpu.memref_slice %arg3[%add3A_12] : memref<160000xi32, #tpu.memory_space<hbm>> -> memref<1000xi32, #tpu.memory_space<hbm>>
      %dma_start3A_110 = tpu.memref_slice %arg3[%add3A_12] : memref<160000xi32, #tpu.memory_space<hbm>> -> memref<1000xi32, #tpu.memory_space<hbm>>
      tpu.enqueue_dma source(%dma_start3A_110 : memref<1000xi32, #tpu.memory_space<hbm>>) target(%arg7 : memref<1000xi32, #tpu.memory_space<vmem>>) target_semaphore(%run_scoped3A : memref<!tpu.dma_semaphore, #tpu.memory_space<semaphore_mem>>)
      %dma_wait3A_111 = tpu.memref_slice %arg3[%add3A_12] : memref<160000xi32, #tpu.memory_space<hbm>> -> memref<1000xi32, #tpu.memory_space<hbm>>
      %dma_wait3A_112 = tpu.memref_slice %arg3[%add3A_12] : memref<160000xi32, #tpu.memory_space<hbm>> -> memref<1000xi32, #tpu.memory_space<hbm>>
      tpu.wait_dma2 semaphore(%run_scoped3A : memref<!tpu.dma_semaphore, #tpu.memory_space<semaphore_mem>>) src(%dma_wait3A_112 : memref<1000xi32, #tpu.memory_space<hbm>>) dst(%arg7 : memref<1000xi32, #tpu.memory_space<vmem>>)
      tpu.yield
    }) : () -> ()
    %mul3A_13 = arith.constant 5000 : i32
    %mul3A_14 = arith.muli %add3A, %mul3A_13 : i32
    %add3A_15 = arith.constant 3000 : i32
    %add3A_16 = arith.addi %mul3A_14, %add3A_15 : i32
    "tpu.region"() ({
      %run_scoped3A = tpu.sem_alloc : memref<!tpu.dma_semaphore, #tpu.memory_space<semaphore_mem>>
      %dma_start3A_109 = tpu.memref_slice %arg3[%add3A_16] : memref<160000xi32, #tpu.memory_space<hbm>> -> memref<1000xi32, #tpu.memory_space<hbm>>
      %dma_start3A_110 = tpu.memref_slice %arg3[%add3A_16] : memref<160000xi32, #tpu.memory_space<hbm>> -> memref<1000xi32, #tpu.memory_space<hbm>>
      tpu.enqueue_dma source(%dma_start3A_110 : memref<1000xi32, #tpu.memory_space<hbm>>) target(%arg8 : memref<1000xi32, #tpu.memory_space<vmem>>) target_semaphore(%run_scoped3A : memref<!tpu.dma_semaphore, #tpu.memory_space<semaphore_mem>>)
      %dma_wait3A_111 = tpu.memref_slice %arg3[%add3A_16] : memref<160000xi32, #tpu.memory_space<hbm>> -> memref<1000xi32, #tpu.memory_space<hbm>>
      %dma_wait3A_112 = tpu.memref_slice %arg3[%add3A_16] : memref<160000xi32, #tpu.memory_space<hbm>> -> memref<1000xi32, #tpu.memory_space<hbm>>
      tpu.wait_dma2 semaphore(%run_scoped3A : memref<!tpu.dma_semaphore, #tpu.memory_space<semaphore_mem>>) src(%dma_wait3A_112 : memref<1000xi32, #tpu.memory_space<hbm>>) dst(%arg8 : memref<1000xi32, #tpu.memory_space<vmem>>)
      tpu.yield
    }) : () -> ()
    %mul3A_17 = arith.constant 5000 : i32
    %mul3A_18 = arith.muli %add3A, %mul3A_17 : i32
    %add3A_19 = arith.constant 4000 : i32
    %add3A_20 = arith.addi %mul3A_18, %add3A_19 : i32
    "tpu.region"() ({
      %run_scoped3A = tpu.sem_alloc : memref<!tpu.dma_semaphore, #tpu.memory_space<semaphore_mem>>
      %dma_start3A_109 = tpu.memref_slice %arg3[%add3A_20] : memref<160000xi32, #tpu.memory_space<hbm>> -> memref<1000xi32, #tpu.memory_space<hbm>>
      %dma_start3A_110 = tpu.memref_slice %arg3[%add3A_20] : memref<160000xi32, #tpu.memory_space<hbm>> -> memref<1000xi32, #tpu.memory_space<hbm>>
      tpu.enqueue_dma source(%dma_start3A_110 : memref<1000xi32, #tpu.memory_space<hbm>>) target(%arg9 : memref<1000xi32, #tpu.memory_space<vmem>>) target_semaphore(%run_scoped3A : memref<!tpu.dma_semaphore, #tpu.memory_space<semaphore_mem>>)
      %dma_wait3A_111 = tpu.memref_slice %arg3[%add3A_20] : memref<160000xi32, #tpu.memory_space<hbm>> -> memref<1000xi32, #tpu.memory_space<hbm>>
      %dma_wait3A_112 = tpu.memref_slice %arg3[%add3A_20] : memref<160000xi32, #tpu.memory_space<hbm>> -> memref<1000xi32, #tpu.memory_space<hbm>>
      tpu.wait_dma2 semaphore(%run_scoped3A : memref<!tpu.dma_semaphore, #tpu.memory_space<semaphore_mem>>) src(%dma_wait3A_112 : memref<1000xi32, #tpu.memory_space<hbm>>) dst(%arg9 : memref<1000xi32, #tpu.memory_space<vmem>>)
      tpu.yield
    }) : () -> ()
    %dma_start3A = arith.constant 0 : i32
    %dma_start3A_21 = arith.constant 0 : i32
    %dma_start3A_22 = tpu.memref_slice %arg2[%dma_start3A, %dma_start3A_21] : memref<10000x32xf32, #tpu.memory_space<hbm>> -> memref<10000x32xf32, #tpu.memory_space<hbm>>
    tpu.enqueue_indirect_dma source(%dma_start3A_22 : memref<10000x32xf32, #tpu.memory_space<hbm>>) target(%arg10 : memref<1000x32xf32, #tpu.memory_space<vmem>>) offsets(%arg5 : memref<1000xi32, #tpu.memory_space<vmem>>) semaphore(%arg13 : memref<!tpu.dma_semaphore, #tpu.memory_space<semaphore_mem>>)
    %dma_start3A_23 = arith.constant 0 : i32
    %dma_start3A_24 = arith.constant 0 : i32
    %dma_start3A_25 = tpu.memref_slice %arg2[%dma_start3A_23, %dma_start3A_24] : memref<10000x32xf32, #tpu.memory_space<hbm>> -> memref<10000x32xf32, #tpu.memory_space<hbm>>
    tpu.enqueue_indirect_dma source(%dma_start3A_25 : memref<10000x32xf32, #tpu.memory_space<hbm>>) target(%arg11 : memref<1000x32xf32, #tpu.memory_space<vmem>>) offsets(%arg6 : memref<1000xi32, #tpu.memory_space<vmem>>) semaphore(%arg14 : memref<!tpu.dma_semaphore, #tpu.memory_space<semaphore_mem>>)
    %dma_wait3A = arith.constant 0 : i32
    %dma_wait3A_26 = arith.constant 0 : i32
    %dma_wait3A_27 = tpu.memref_slice %arg2[%dma_wait3A, %dma_wait3A_26] : memref<10000x32xf32, #tpu.memory_space<hbm>> -> memref<10000x32xf32, #tpu.memory_space<hbm>>
    tpu.wait_indirect_dma semaphore(%arg13 : memref<!tpu.dma_semaphore, #tpu.memory_space<semaphore_mem>>) src(%dma_wait3A_27 : memref<10000x32xf32, #tpu.memory_space<hbm>>) dst(%arg10 : memref<1000x32xf32, #tpu.memory_space<vmem>>)
    %mul3A_28 = arith.constant 5000 : i32
    %mul3A_29 = arith.muli %add3A, %mul3A_28 : i32
    %add3A_30 = arith.constant 0 : i32
    %add3A_31 = arith.addi %mul3A_29, %add3A_30 : i32
    %dma_start3A_32 = arith.constant 0 : i32
    %dma_start3A_33 = tpu.memref_slice %arg4[%add3A_31, %dma_start3A_32] : memref<160000x32xf32, #tpu.memory_space<hbm>> -> memref<1000x32xf32, #tpu.memory_space<hbm>>
    %dma_start3A_34 = arith.constant 0 : i32
    %dma_start3A_35 = tpu.memref_slice %arg4[%add3A_31, %dma_start3A_34] : memref<160000x32xf32, #tpu.memory_space<hbm>> -> memref<1000x32xf32, #tpu.memory_space<hbm>>
    tpu.enqueue_dma source(%arg10 : memref<1000x32xf32, #tpu.memory_space<vmem>>) target(%dma_start3A_35 : memref<1000x32xf32, #tpu.memory_space<hbm>>) target_semaphore(%arg16 : memref<!tpu.dma_semaphore, #tpu.memory_space<semaphore_mem>>)
    %dma_start3A_36 = arith.constant 0 : i32
    %dma_start3A_37 = arith.constant 0 : i32
    %dma_start3A_38 = tpu.memref_slice %arg2[%dma_start3A_36, %dma_start3A_37] : memref<10000x32xf32, #tpu.memory_space<hbm>> -> memref<10000x32xf32, #tpu.memory_space<hbm>>
    tpu.enqueue_indirect_dma source(%dma_start3A_38 : memref<10000x32xf32, #tpu.memory_space<hbm>>) target(%arg12 : memref<1000x32xf32, #tpu.memory_space<vmem>>) offsets(%arg7 : memref<1000xi32, #tpu.memory_space<vmem>>) semaphore(%arg15 : memref<!tpu.dma_semaphore, #tpu.memory_space<semaphore_mem>>)
    %dma_wait3A_39 = arith.constant 0 : i32
    %dma_wait3A_40 = arith.constant 0 : i32
    %dma_wait3A_41 = tpu.memref_slice %arg2[%dma_wait3A_39, %dma_wait3A_40] : memref<10000x32xf32, #tpu.memory_space<hbm>> -> memref<10000x32xf32, #tpu.memory_space<hbm>>
    tpu.wait_indirect_dma semaphore(%arg14 : memref<!tpu.dma_semaphore, #tpu.memory_space<semaphore_mem>>) src(%dma_wait3A_41 : memref<10000x32xf32, #tpu.memory_space<hbm>>) dst(%arg11 : memref<1000x32xf32, #tpu.memory_space<vmem>>)
    %mul3A_42 = arith.constant 5000 : i32
    %mul3A_43 = arith.muli %add3A, %mul3A_42 : i32
    %add3A_44 = arith.constant 1000 : i32
    %add3A_45 = arith.addi %mul3A_43, %add3A_44 : i32
    %dma_start3A_46 = arith.constant 0 : i32
    %dma_start3A_47 = tpu.memref_slice %arg4[%add3A_45, %dma_start3A_46] : memref<160000x32xf32, #tpu.memory_space<hbm>> -> memref<1000x32xf32, #tpu.memory_space<hbm>>
    %dma_start3A_48 = arith.constant 0 : i32
    %dma_start3A_49 = tpu.memref_slice %arg4[%add3A_45, %dma_start3A_48] : memref<160000x32xf32, #tpu.memory_space<hbm>> -> memref<1000x32xf32, #tpu.memory_space<hbm>>
    tpu.enqueue_dma source(%arg11 : memref<1000x32xf32, #tpu.memory_space<vmem>>) target(%dma_start3A_49 : memref<1000x32xf32, #tpu.memory_space<hbm>>) target_semaphore(%arg17 : memref<!tpu.dma_semaphore, #tpu.memory_space<semaphore_mem>>)
    %dma_wait3A_50 = arith.constant 0 : i32
    %dma_wait3A_51 = tpu.memref_slice %arg4[%add3A_31, %dma_wait3A_50] : memref<160000x32xf32, #tpu.memory_space<hbm>> -> memref<1000x32xf32, #tpu.memory_space<hbm>>
    %dma_wait3A_52 = arith.constant 0 : i32
    %dma_wait3A_53 = tpu.memref_slice %arg4[%add3A_31, %dma_wait3A_52] : memref<160000x32xf32, #tpu.memory_space<hbm>> -> memref<1000x32xf32, #tpu.memory_space<hbm>>
    tpu.wait_dma2 semaphore(%arg16 : memref<!tpu.dma_semaphore, #tpu.memory_space<semaphore_mem>>) src(%arg10 : memref<1000x32xf32, #tpu.memory_space<vmem>>) dst(%dma_wait3A_53 : memref<1000x32xf32, #tpu.memory_space<hbm>>)
    %dma_start3A_54 = arith.constant 0 : i32
    %dma_start3A_55 = arith.constant 0 : i32
    %dma_start3A_56 = tpu.memref_slice %arg2[%dma_start3A_54, %dma_start3A_55] : memref<10000x32xf32, #tpu.memory_space<hbm>> -> memref<10000x32xf32, #tpu.memory_space<hbm>>
    tpu.enqueue_indirect_dma source(%dma_start3A_56 : memref<10000x32xf32, #tpu.memory_space<hbm>>) target(%arg10 : memref<1000x32xf32, #tpu.memory_space<vmem>>) offsets(%arg8 : memref<1000xi32, #tpu.memory_space<vmem>>) semaphore(%arg13 : memref<!tpu.dma_semaphore, #tpu.memory_space<semaphore_mem>>)
    %dma_wait3A_57 = arith.constant 0 : i32
    %dma_wait3A_58 = arith.constant 0 : i32
    %dma_wait3A_59 = tpu.memref_slice %arg2[%dma_wait3A_57, %dma_wait3A_58] : memref<10000x32xf32, #tpu.memory_space<hbm>> -> memref<10000x32xf32, #tpu.memory_space<hbm>>
    tpu.wait_indirect_dma semaphore(%arg15 : memref<!tpu.dma_semaphore, #tpu.memory_space<semaphore_mem>>) src(%dma_wait3A_59 : memref<10000x32xf32, #tpu.memory_space<hbm>>) dst(%arg12 : memref<1000x32xf32, #tpu.memory_space<vmem>>)
    %mul3A_60 = arith.constant 5000 : i32
    %mul3A_61 = arith.muli %add3A, %mul3A_60 : i32
    %add3A_62 = arith.constant 2000 : i32
    %add3A_63 = arith.addi %mul3A_61, %add3A_62 : i32
    %dma_start3A_64 = arith.constant 0 : i32
    %dma_start3A_65 = tpu.memref_slice %arg4[%add3A_63, %dma_start3A_64] : memref<160000x32xf32, #tpu.memory_space<hbm>> -> memref<1000x32xf32, #tpu.memory_space<hbm>>
    %dma_start3A_66 = arith.constant 0 : i32
    %dma_start3A_67 = tpu.memref_slice %arg4[%add3A_63, %dma_start3A_66] : memref<160000x32xf32, #tpu.memory_space<hbm>> -> memref<1000x32xf32, #tpu.memory_space<hbm>>
    tpu.enqueue_dma source(%arg12 : memref<1000x32xf32, #tpu.memory_space<vmem>>) target(%dma_start3A_67 : memref<1000x32xf32, #tpu.memory_space<hbm>>) target_semaphore(%arg18 : memref<!tpu.dma_semaphore, #tpu.memory_space<semaphore_mem>>)
    %dma_wait3A_68 = arith.constant 0 : i32
    %dma_wait3A_69 = tpu.memref_slice %arg4[%add3A_45, %dma_wait3A_68] : memref<160000x32xf32, #tpu.memory_space<hbm>> -> memref<1000x32xf32, #tpu.memory_space<hbm>>
    %dma_wait3A_70 = arith.constant 0 : i32
    %dma_wait3A_71 = tpu.memref_slice %arg4[%add3A_45, %dma_wait3A_70] : memref<160000x32xf32, #tpu.memory_space<hbm>> -> memref<1000x32xf32, #tpu.memory_space<hbm>>
    tpu.wait_dma2 semaphore(%arg17 : memref<!tpu.dma_semaphore, #tpu.memory_space<semaphore_mem>>) src(%arg11 : memref<1000x32xf32, #tpu.memory_space<vmem>>) dst(%dma_wait3A_71 : memref<1000x32xf32, #tpu.memory_space<hbm>>)
    %dma_start3A_72 = arith.constant 0 : i32
    %dma_start3A_73 = arith.constant 0 : i32
    %dma_start3A_74 = tpu.memref_slice %arg2[%dma_start3A_72, %dma_start3A_73] : memref<10000x32xf32, #tpu.memory_space<hbm>> -> memref<10000x32xf32, #tpu.memory_space<hbm>>
    tpu.enqueue_indirect_dma source(%dma_start3A_74 : memref<10000x32xf32, #tpu.memory_space<hbm>>) target(%arg11 : memref<1000x32xf32, #tpu.memory_space<vmem>>) offsets(%arg9 : memref<1000xi32, #tpu.memory_space<vmem>>) semaphore(%arg14 : memref<!tpu.dma_semaphore, #tpu.memory_space<semaphore_mem>>)
    %dma_wait3A_75 = arith.constant 0 : i32
    %dma_wait3A_76 = arith.constant 0 : i32
    %dma_wait3A_77 = tpu.memref_slice %arg2[%dma_wait3A_75, %dma_wait3A_76] : memref<10000x32xf32, #tpu.memory_space<hbm>> -> memref<10000x32xf32, #tpu.memory_space<hbm>>
    tpu.wait_indirect_dma semaphore(%arg13 : memref<!tpu.dma_semaphore, #tpu.memory_space<semaphore_mem>>) src(%dma_wait3A_77 : memref<10000x32xf32, #tpu.memory_space<hbm>>) dst(%arg10 : memref<1000x32xf32, #tpu.memory_space<vmem>>)
    %mul3A_78 = arith.constant 5000 : i32
    %mul3A_79 = arith.muli %add3A, %mul3A_78 : i32
    %add3A_80 = arith.constant 3000 : i32
    %add3A_81 = arith.addi %mul3A_79, %add3A_80 : i32
    %dma_start3A_82 = arith.constant 0 : i32
    %dma_start3A_83 = tpu.memref_slice %arg4[%add3A_81, %dma_start3A_82] : memref<160000x32xf32, #tpu.memory_space<hbm>> -> memref<1000x32xf32, #tpu.memory_space<hbm>>
    %dma_start3A_84 = arith.constant 0 : i32
    %dma_start3A_85 = tpu.memref_slice %arg4[%add3A_81, %dma_start3A_84] : memref<160000x32xf32, #tpu.memory_space<hbm>> -> memref<1000x32xf32, #tpu.memory_space<hbm>>
    tpu.enqueue_dma source(%arg10 : memref<1000x32xf32, #tpu.memory_space<vmem>>) target(%dma_start3A_85 : memref<1000x32xf32, #tpu.memory_space<hbm>>) target_semaphore(%arg16 : memref<!tpu.dma_semaphore, #tpu.memory_space<semaphore_mem>>)
    %dma_wait3A_86 = arith.constant 0 : i32
    %dma_wait3A_87 = arith.constant 0 : i32
    %dma_wait3A_88 = tpu.memref_slice %arg2[%dma_wait3A_86, %dma_wait3A_87] : memref<10000x32xf32, #tpu.memory_space<hbm>> -> memref<10000x32xf32, #tpu.memory_space<hbm>>
    tpu.wait_indirect_dma semaphore(%arg14 : memref<!tpu.dma_semaphore, #tpu.memory_space<semaphore_mem>>) src(%dma_wait3A_88 : memref<10000x32xf32, #tpu.memory_space<hbm>>) dst(%arg11 : memref<1000x32xf32, #tpu.memory_space<vmem>>)
    %mul3A_89 = arith.constant 5000 : i32
    %mul3A_90 = arith.muli %add3A, %mul3A_89 : i32
    %add3A_91 = arith.constant 4000 : i32
    %add3A_92 = arith.addi %mul3A_90, %add3A_91 : i32
    %dma_start3A_93 = arith.constant 0 : i32
    %dma_start3A_94 = tpu.memref_slice %arg4[%add3A_92, %dma_start3A_93] : memref<160000x32xf32, #tpu.memory_space<hbm>> -> memref<1000x32xf32, #tpu.memory_space<hbm>>
    %dma_start3A_95 = arith.constant 0 : i32
    %dma_start3A_96 = tpu.memref_slice %arg4[%add3A_92, %dma_start3A_95] : memref<160000x32xf32, #tpu.memory_space<hbm>> -> memref<1000x32xf32, #tpu.memory_space<hbm>>
    tpu.enqueue_dma source(%arg11 : memref<1000x32xf32, #tpu.memory_space<vmem>>) target(%dma_start3A_96 : memref<1000x32xf32, #tpu.memory_space<hbm>>) target_semaphore(%arg17 : memref<!tpu.dma_semaphore, #tpu.memory_space<semaphore_mem>>)
    %dma_wait3A_97 = arith.constant 0 : i32
    %dma_wait3A_98 = tpu.memref_slice %arg4[%add3A_63, %dma_wait3A_97] : memref<160000x32xf32, #tpu.memory_space<hbm>> -> memref<1000x32xf32, #tpu.memory_space<hbm>>
    %dma_wait3A_99 = arith.constant 0 : i32
    %dma_wait3A_100 = tpu.memref_slice %arg4[%add3A_63, %dma_wait3A_99] : memref<160000x32xf32, #tpu.memory_space<hbm>> -> memref<1000x32xf32, #tpu.memory_space<hbm>>
    tpu.wait_dma2 semaphore(%arg18 : memref<!tpu.dma_semaphore, #tpu.memory_space<semaphore_mem>>) src(%arg12 : memref<1000x32xf32, #tpu.memory_space<vmem>>) dst(%dma_wait3A_100 : memref<1000x32xf32, #tpu.memory_space<hbm>>)
    %dma_wait3A_101 = arith.constant 0 : i32
    %dma_wait3A_102 = tpu.memref_slice %arg4[%add3A_81, %dma_wait3A_101] : memref<160000x32xf32, #tpu.memory_space<hbm>> -> memref<1000x32xf32, #tpu.memory_space<hbm>>
    %dma_wait3A_103 = arith.constant 0 : i32
    %dma_wait3A_104 = tpu.memref_slice %arg4[%add3A_81, %dma_wait3A_103] : memref<160000x32xf32, #tpu.memory_space<hbm>> -> memref<1000x32xf32, #tpu.memory_space<hbm>>
    tpu.wait_dma2 semaphore(%arg16 : memref<!tpu.dma_semaphore, #tpu.memory_space<semaphore_mem>>) src(%arg10 : memref<1000x32xf32, #tpu.memory_space<vmem>>) dst(%dma_wait3A_104 : memref<1000x32xf32, #tpu.memory_space<hbm>>)
    %dma_wait3A_105 = arith.constant 0 : i32
    %dma_wait3A_106 = tpu.memref_slice %arg4[%add3A_92, %dma_wait3A_105] : memref<160000x32xf32, #tpu.memory_space<hbm>> -> memref<1000x32xf32, #tpu.memory_space<hbm>>
    %dma_wait3A_107 = arith.constant 0 : i32
    %dma_wait3A_108 = tpu.memref_slice %arg4[%add3A_92, %dma_wait3A_107] : memref<160000x32xf32, #tpu.memory_space<hbm>> -> memref<1000x32xf32, #tpu.memory_space<hbm>>
    tpu.wait_dma2 semaphore(%arg17 : memref<!tpu.dma_semaphore, #tpu.memory_space<semaphore_mem>>) src(%arg11 : memref<1000x32xf32, #tpu.memory_space<vmem>>) dst(%dma_wait3A_108 : memref<1000x32xf32, #tpu.memory_space<hbm>>)
    return
  }
}

module attributes {stable_mosaic.version = 14 : i64} {
  func.func @_node_pre_body(%arg0: i32, %arg1: memref<2000x32xf32, #tpu.memory_space<vmem>>, %arg2: memref<2000x4xf32, #tpu.memory_space<vmem>>, %arg3: memref<4x32x64xf32, #tpu.memory_space<vmem>>, %arg4: memref<2000x32xf32, #tpu.memory_space<vmem>>, %arg5: memref<2000x32xf32, #tpu.memory_space<vmem>>) attributes {dimension_semantics = [#tpu.dimension_semantics<arbitrary>], iteration_bounds = array<i64: 5>, scalar_prefetch = 0 : i64, scratch_operands = 0 : i64, tpu.core_type = #tpu.core_type<tc>, window_params = [{transform_indices = @transform_0, window_bounds = array<i64: 2000, 32>}, {transform_indices = @transform_1, window_bounds = array<i64: 2000, 4>}, {pipeline_mode = #tpu.pipeline_mode<synchronous>, transform_indices = @transform_2, window_bounds = array<i64: 4, 32, 64>}, {transform_indices = @transform_3, window_bounds = array<i64: 2000, 32>}, {transform_indices = @transform_4, window_bounds = array<i64: 2000, 32>}]} {
    %get3A = arith.constant 0 : index
    %get3A_0 = arith.constant 0 : index
    %get3A_1 = vector.load %arg1[%get3A, %get3A_0] : memref<2000x32xf32, #tpu.memory_space<vmem>>, vector<2000x32xf32>
    %get3A_2 = arith.constant 0 : index
    %get3A_3 = arith.constant 0 : index
    %get3A_4 = vector.load %arg2[%get3A_2, %get3A_3] : memref<2000x4xf32, #tpu.memory_space<vmem>>, vector<2000x4xf32>
    %broadcast_in_dim3A = arith.constant 0.000000e+00 : f32
    %broadcast_in_dim3A_5 = vector.broadcast %broadcast_in_dim3A : f32 to vector<2000x64xf32>
    %slice3A = vector.extract_strided_slice %get3A_4 {offsets = [0, 0], sizes = [2000, 1], strides = [1, 1]} : vector<2000x4xf32> to vector<2000x1xf32>
    %get3A_6 = arith.constant 0 : index
    %get3A_7 = arith.constant 0 : index
    %get3A_8 = arith.constant 0 : index
    %get3A_9 = vector.load %arg3[%get3A_6, %get3A_7, %get3A_8] : memref<4x32x64xf32, #tpu.memory_space<vmem>>, vector<1x32x64xf32>
    %get3A_10 = vector.shape_cast %get3A_9 : vector<1x32x64xf32> to vector<32x64xf32>
    %dot_general3A = arith.constant dense<0.000000e+00> : vector<2000x64xf32>
    %dot_general3A_11 = tpu.matmul %get3A_1, %get3A_10, %dot_general3A {dimension_numbers = #tpu.dot_dimension_numbers<[1], [0], [0], [1], [0, 0, 1, 1], [], []>, transpose_lhs_hint = false} : vector<2000x32xf32>, vector<32x64xf32>, vector<2000x64xf32> -> vector<2000x64xf32>
    %mul3A = vector.broadcast %slice3A : vector<2000x1xf32> to vector<2000x64xf32>
    %mul3A_12 = arith.mulf %mul3A, %dot_general3A_11 : vector<2000x64xf32>
    %add3A = arith.addf %broadcast_in_dim3A_5, %mul3A_12 : vector<2000x64xf32>
    %slice3A_13 = vector.extract_strided_slice %get3A_4 {offsets = [0, 1], sizes = [2000, 1], strides = [1, 1]} : vector<2000x4xf32> to vector<2000x1xf32>
    %get3A_14 = arith.constant 1 : index
    %get3A_15 = arith.constant 0 : index
    %get3A_16 = arith.constant 0 : index
    %get3A_17 = vector.load %arg3[%get3A_14, %get3A_15, %get3A_16] : memref<4x32x64xf32, #tpu.memory_space<vmem>>, vector<1x32x64xf32>
    %get3A_18 = vector.shape_cast %get3A_17 : vector<1x32x64xf32> to vector<32x64xf32>
    %dot_general3A_19 = arith.constant dense<0.000000e+00> : vector<2000x64xf32>
    %dot_general3A_20 = tpu.matmul %get3A_1, %get3A_18, %dot_general3A_19 {dimension_numbers = #tpu.dot_dimension_numbers<[1], [0], [0], [1], [0, 0, 1, 1], [], []>, transpose_lhs_hint = false} : vector<2000x32xf32>, vector<32x64xf32>, vector<2000x64xf32> -> vector<2000x64xf32>
    %mul3A_21 = vector.broadcast %slice3A_13 : vector<2000x1xf32> to vector<2000x64xf32>
    %mul3A_22 = arith.mulf %mul3A_21, %dot_general3A_20 : vector<2000x64xf32>
    %add3A_23 = arith.addf %add3A, %mul3A_22 : vector<2000x64xf32>
    %slice3A_24 = vector.extract_strided_slice %get3A_4 {offsets = [0, 2], sizes = [2000, 1], strides = [1, 1]} : vector<2000x4xf32> to vector<2000x1xf32>
    %get3A_25 = arith.constant 2 : index
    %get3A_26 = arith.constant 0 : index
    %get3A_27 = arith.constant 0 : index
    %get3A_28 = vector.load %arg3[%get3A_25, %get3A_26, %get3A_27] : memref<4x32x64xf32, #tpu.memory_space<vmem>>, vector<1x32x64xf32>
    %get3A_29 = vector.shape_cast %get3A_28 : vector<1x32x64xf32> to vector<32x64xf32>
    %dot_general3A_30 = arith.constant dense<0.000000e+00> : vector<2000x64xf32>
    %dot_general3A_31 = tpu.matmul %get3A_1, %get3A_29, %dot_general3A_30 {dimension_numbers = #tpu.dot_dimension_numbers<[1], [0], [0], [1], [0, 0, 1, 1], [], []>, transpose_lhs_hint = false} : vector<2000x32xf32>, vector<32x64xf32>, vector<2000x64xf32> -> vector<2000x64xf32>
    %mul3A_32 = vector.broadcast %slice3A_24 : vector<2000x1xf32> to vector<2000x64xf32>
    %mul3A_33 = arith.mulf %mul3A_32, %dot_general3A_31 : vector<2000x64xf32>
    %add3A_34 = arith.addf %add3A_23, %mul3A_33 : vector<2000x64xf32>
    %slice3A_35 = vector.extract_strided_slice %get3A_4 {offsets = [0, 3], sizes = [2000, 1], strides = [1, 1]} : vector<2000x4xf32> to vector<2000x1xf32>
    %get3A_36 = arith.constant 3 : index
    %get3A_37 = arith.constant 0 : index
    %get3A_38 = arith.constant 0 : index
    %get3A_39 = vector.load %arg3[%get3A_36, %get3A_37, %get3A_38] : memref<4x32x64xf32, #tpu.memory_space<vmem>>, vector<1x32x64xf32>
    %get3A_40 = vector.shape_cast %get3A_39 : vector<1x32x64xf32> to vector<32x64xf32>
    %dot_general3A_41 = arith.constant dense<0.000000e+00> : vector<2000x64xf32>
    %dot_general3A_42 = tpu.matmul %get3A_1, %get3A_40, %dot_general3A_41 {dimension_numbers = #tpu.dot_dimension_numbers<[1], [0], [0], [1], [0, 0, 1, 1], [], []>, transpose_lhs_hint = false} : vector<2000x32xf32>, vector<32x64xf32>, vector<2000x64xf32> -> vector<2000x64xf32>
    %mul3A_43 = vector.broadcast %slice3A_35 : vector<2000x1xf32> to vector<2000x64xf32>
    %mul3A_44 = arith.mulf %mul3A_43, %dot_general3A_42 : vector<2000x64xf32>
    %add3A_45 = arith.addf %add3A_34, %mul3A_44 : vector<2000x64xf32>
    %mul3A_46 = arith.constant 0.0883883461 : f32
    %mul3A_47 = vector.broadcast %mul3A_46 : f32 to vector<2000x64xf32>
    %mul3A_48 = arith.mulf %add3A_45, %mul3A_47 : vector<2000x64xf32>
    %slice3A_49 = vector.extract_strided_slice %mul3A_48 {offsets = [0, 0], sizes = [2000, 32], strides = [1, 1]} : vector<2000x64xf32> to vector<2000x32xf32>
    %swap3A = arith.constant 0 : index
    %swap3A_50 = arith.constant 0 : index
    %swap3A_51 = vector.load %arg4[%swap3A, %swap3A_50] : memref<2000x32xf32, #tpu.memory_space<vmem>>, vector<2000x32xf32>
    tpu.vector_store %arg4[%swap3A, %swap3A_50], %slice3A_49 {strides = array<i32>} : memref<2000x32xf32, #tpu.memory_space<vmem>>, vector<2000x32xf32>,
    %slice3A_52 = vector.extract_strided_slice %mul3A_48 {offsets = [0, 32], sizes = [2000, 32], strides = [1, 1]} : vector<2000x64xf32> to vector<2000x32xf32>
    %swap3A_53 = arith.constant 0 : index
    %swap3A_54 = arith.constant 0 : index
    %swap3A_55 = vector.load %arg5[%swap3A_53, %swap3A_54] : memref<2000x32xf32, #tpu.memory_space<vmem>>, vector<2000x32xf32>
    tpu.vector_store %arg5[%swap3A_53, %swap3A_54], %slice3A_52 {strides = array<i32>} : memref<2000x32xf32, #tpu.memory_space<vmem>>, vector<2000x32xf32>,
    return
  }
  func.func @transform_0(%arg0: i32) -> (i32, i32) {
    %c0_i32 = arith.constant 0 : i32
    %c0_i32_0 = arith.constant 0 : i32
    return %arg0, %c0_i32 : i32, i32
  }
  func.func @transform_1(%arg0: i32) -> (i32, i32) {
    %c0_i32 = arith.constant 0 : i32
    %c0_i32_0 = arith.constant 0 : i32
    return %arg0, %c0_i32 : i32, i32
  }
  func.func @transform_2(%arg0: i32) -> (i32, i32, i32) {
    %c0_i32 = arith.constant 0 : i32
    %c0_i32_0 = arith.constant 0 : i32
    %c0_i32_1 = arith.constant 0 : i32
    %c0_i32_2 = arith.constant 0 : i32
    return %c0_i32, %c0_i32_0, %c0_i32_1 : i32, i32, i32
  }
  func.func @transform_3(%arg0: i32) -> (i32, i32) {
    %c0_i32 = arith.constant 0 : i32
    %c0_i32_0 = arith.constant 0 : i32
    return %arg0, %c0_i32 : i32, i32
  }
  func.func @transform_4(%arg0: i32) -> (i32, i32) {
    %c0_i32 = arith.constant 0 : i32
    %c0_i32_0 = arith.constant 0 : i32
    return %arg0, %c0_i32 : i32, i32
  }
}

module attributes {stable_mosaic.version = 14 : i64} {
  func.func @_edge_body(%arg0: i32, %arg1: memref<16x6400xf32, #tpu.memory_space<vmem>>, %arg2: memref<6400x32xf32, #tpu.memory_space<vmem>>, %arg3: memref<64x16xbf16, #tpu.memory_space<vmem>>, %arg4: memref<64x1xf32, #tpu.memory_space<vmem>>, %arg5: memref<1024x64xbf16, #tpu.memory_space<vmem>>, %arg6: memref<1024x1xf32, #tpu.memory_space<vmem>>, %arg7: memref<6400x32xf32, #tpu.memory_space<vmem>>) attributes {dimension_semantics = [#tpu.dimension_semantics<arbitrary>], iteration_bounds = array<i64: 25>, scalar_prefetch = 0 : i64, scratch_operands = 0 : i64, tpu.core_type = #tpu.core_type<tc>, window_params = [{transform_indices = @transform_0, window_bounds = array<i64: 16, 6400>}, {transform_indices = @transform_1, window_bounds = array<i64: 6400, 32>}, {pipeline_mode = #tpu.pipeline_mode<synchronous>, transform_indices = @transform_2, window_bounds = array<i64: 64, 16>}, {pipeline_mode = #tpu.pipeline_mode<synchronous>, transform_indices = @transform_3, window_bounds = array<i64: 64, 1>}, {pipeline_mode = #tpu.pipeline_mode<synchronous>, transform_indices = @transform_4, window_bounds = array<i64: 1024, 64>}, {pipeline_mode = #tpu.pipeline_mode<synchronous>, transform_indices = @transform_5, window_bounds = array<i64: 1024, 1>}, {transform_indices = @transform_6, window_bounds = array<i64: 6400, 32>}]} {
    %get3A = arith.constant 0 : index
    %get3A_0 = arith.constant 0 : index
    %get3A_1 = vector.load %arg1[%get3A, %get3A_0] : memref<16x6400xf32, #tpu.memory_space<vmem>>, vector<16x6400xf32>
    %convert_element_type3A = arith.truncf %get3A_1 : vector<16x6400xf32> to vector<16x6400xbf16>
    %get3A_2 = arith.constant 0 : index
    %get3A_3 = arith.constant 0 : index
    %get3A_4 = vector.load %arg3[%get3A_2, %get3A_3] : memref<64x16xbf16, #tpu.memory_space<vmem>>, vector<64x16xbf16>
    %dot_general3A = arith.constant dense<0.000000e+00> : vector<64x6400xf32>
    %dot_general3A_5 = tpu.matmul %get3A_4, %convert_element_type3A, %dot_general3A {dimension_numbers = #tpu.dot_dimension_numbers<[1], [0], [0], [1], [0, 0, 1, 1], [], []>, transpose_lhs_hint = false} : vector<64x16xbf16>, vector<16x6400xbf16>, vector<64x6400xf32> -> vector<64x6400xf32>
    %get3A_6 = arith.constant 0 : index
    %get3A_7 = arith.constant 0 : index
    %get3A_8 = vector.load %arg4[%get3A_6, %get3A_7] : memref<64x1xf32, #tpu.memory_space<vmem>>, vector<64x1xf32>
    %add3A = vector.broadcast %get3A_8 : vector<64x1xf32> to vector<64x6400xf32>
    %add3A_9 = arith.addf %dot_general3A_5, %add3A : vector<64x6400xf32>
    %logistic3A = arith.negf %add3A_9 : vector<64x6400xf32>
    %logistic3A_10 = math.exp %logistic3A : vector<64x6400xf32>
    %logistic3A_11 = arith.constant 1.000000e+00 : f32
    %logistic3A_12 = vector.broadcast %logistic3A_11 : f32 to vector<64x6400xf32>
    %logistic3A_13 = arith.addf %logistic3A_12, %logistic3A_10 : vector<64x6400xf32>
    %logistic3A_14 = arith.divf %logistic3A_12, %logistic3A_13 : vector<64x6400xf32>
    %mul3A = arith.mulf %add3A_9, %logistic3A_14 : vector<64x6400xf32>
    %get3A_15 = arith.constant 0 : index
    %get3A_16 = arith.constant 0 : index
    %get3A_17 = vector.load %arg5[%get3A_15, %get3A_16] : memref<1024x64xbf16, #tpu.memory_space<vmem>>, vector<1024x64xbf16>
    %convert_element_type3A_18 = arith.truncf %mul3A : vector<64x6400xf32> to vector<64x6400xbf16>
    %dot_general3A_19 = arith.constant dense<0.000000e+00> : vector<1024x6400xf32>
    %dot_general3A_20 = tpu.matmul %get3A_17, %convert_element_type3A_18, %dot_general3A_19 {dimension_numbers = #tpu.dot_dimension_numbers<[1], [0], [0], [1], [0, 0, 1, 1], [], []>, transpose_lhs_hint = false} : vector<1024x64xbf16>, vector<64x6400xbf16>, vector<1024x6400xf32> -> vector<1024x6400xf32>
    %get3A_21 = arith.constant 0 : index
    %get3A_22 = arith.constant 0 : index
    %get3A_23 = vector.load %arg6[%get3A_21, %get3A_22] : memref<1024x1xf32, #tpu.memory_space<vmem>>, vector<1024x1xf32>
    %add3A_24 = vector.broadcast %get3A_23 : vector<1024x1xf32> to vector<1024x6400xf32>
    %add3A_25 = arith.addf %dot_general3A_20, %add3A_24 : vector<1024x6400xf32>
    %get3A_26 = arith.constant 0 : index
    %get3A_27 = arith.constant 0 : index
    %get3A_28 = vector.load %arg2[%get3A_26, %get3A_27] : memref<6400x32xf32, #tpu.memory_space<vmem>>, vector<6400x32xf32>
    %transpose3A = tpu.transpose %get3A_28, [1, 0] : vector<6400x32xf32> -> vector<32x6400xf32>
    %broadcast_in_dim3A = arith.constant 0.000000e+00 : f32
    %broadcast_in_dim3A_29 = vector.broadcast %broadcast_in_dim3A : f32 to vector<32x6400xf32>
    %slice3A = vector.extract_strided_slice %add3A_25 {offsets = [0, 0], sizes = [32, 6400], strides = [1, 1]} : vector<1024x6400xf32> to vector<32x6400xf32>
    %slice3A_30 = vector.extract_strided_slice %transpose3A {offsets = [0, 0], sizes = [1, 6400], strides = [1, 1]} : vector<32x6400xf32> to vector<1x6400xf32>
    %mul3A_31 = vector.broadcast %slice3A_30 : vector<1x6400xf32> to vector<32x6400xf32>
    %mul3A_32 = arith.mulf %slice3A, %mul3A_31 : vector<32x6400xf32>
    %add3A_33 = arith.addf %broadcast_in_dim3A_29, %mul3A_32 : vector<32x6400xf32>
    %slice3A_34 = vector.extract_strided_slice %add3A_25 {offsets = [32, 0], sizes = [32, 6400], strides = [1, 1]} : vector<1024x6400xf32> to vector<32x6400xf32>
    %slice3A_35 = vector.extract_strided_slice %transpose3A {offsets = [1, 0], sizes = [1, 6400], strides = [1, 1]} : vector<32x6400xf32> to vector<1x6400xf32>
    %mul3A_36 = vector.broadcast %slice3A_35 : vector<1x6400xf32> to vector<32x6400xf32>
    %mul3A_37 = arith.mulf %slice3A_34, %mul3A_36 : vector<32x6400xf32>
    %add3A_38 = arith.addf %add3A_33, %mul3A_37 : vector<32x6400xf32>
    %slice3A_39 = vector.extract_strided_slice %add3A_25 {offsets = [64, 0], sizes = [32, 6400], strides = [1, 1]} : vector<1024x6400xf32> to vector<32x6400xf32>
    %slice3A_40 = vector.extract_strided_slice %transpose3A {offsets = [2, 0], sizes = [1, 6400], strides = [1, 1]} : vector<32x6400xf32> to vector<1x6400xf32>
    %mul3A_41 = vector.broadcast %slice3A_40 : vector<1x6400xf32> to vector<32x6400xf32>
    %mul3A_42 = arith.mulf %slice3A_39, %mul3A_41 : vector<32x6400xf32>
    %add3A_43 = arith.addf %add3A_38, %mul3A_42 : vector<32x6400xf32>
    %slice3A_44 = vector.extract_strided_slice %add3A_25 {offsets = [96, 0], sizes = [32, 6400], strides = [1, 1]} : vector<1024x6400xf32> to vector<32x6400xf32>
    %slice3A_45 = vector.extract_strided_slice %transpose3A {offsets = [3, 0], sizes = [1, 6400], strides = [1, 1]} : vector<32x6400xf32> to vector<1x6400xf32>
    %mul3A_46 = vector.broadcast %slice3A_45 : vector<1x6400xf32> to vector<32x6400xf32>
    %mul3A_47 = arith.mulf %slice3A_44, %mul3A_46 : vector<32x6400xf32>
    %add3A_48 = arith.addf %add3A_43, %mul3A_47 : vector<32x6400xf32>
    %slice3A_49 = vector.extract_strided_slice %add3A_25 {offsets = [128, 0], sizes = [32, 6400], strides = [1, 1]} : vector<1024x6400xf32> to vector<32x6400xf32>
    %slice3A_50 = vector.extract_strided_slice %transpose3A {offsets = [4, 0], sizes = [1, 6400], strides = [1, 1]} : vector<32x6400xf32> to vector<1x6400xf32>
    %mul3A_51 = vector.broadcast %slice3A_50 : vector<1x6400xf32> to vector<32x6400xf32>
    %mul3A_52 = arith.mulf %slice3A_49, %mul3A_51 : vector<32x6400xf32>
    %add3A_53 = arith.addf %add3A_48, %mul3A_52 : vector<32x6400xf32>
    %slice3A_54 = vector.extract_strided_slice %add3A_25 {offsets = [160, 0], sizes = [32, 6400], strides = [1, 1]} : vector<1024x6400xf32> to vector<32x6400xf32>
    %slice3A_55 = vector.extract_strided_slice %transpose3A {offsets = [5, 0], sizes = [1, 6400], strides = [1, 1]} : vector<32x6400xf32> to vector<1x6400xf32>
    %mul3A_56 = vector.broadcast %slice3A_55 : vector<1x6400xf32> to vector<32x6400xf32>
    %mul3A_57 = arith.mulf %slice3A_54, %mul3A_56 : vector<32x6400xf32>
    %add3A_58 = arith.addf %add3A_53, %mul3A_57 : vector<32x6400xf32>
    %slice3A_59 = vector.extract_strided_slice %add3A_25 {offsets = [192, 0], sizes = [32, 6400], strides = [1, 1]} : vector<1024x6400xf32> to vector<32x6400xf32>
    %slice3A_60 = vector.extract_strided_slice %transpose3A {offsets = [6, 0], sizes = [1, 6400], strides = [1, 1]} : vector<32x6400xf32> to vector<1x6400xf32>
    %mul3A_61 = vector.broadcast %slice3A_60 : vector<1x6400xf32> to vector<32x6400xf32>
    %mul3A_62 = arith.mulf %slice3A_59, %mul3A_61 : vector<32x6400xf32>
    %add3A_63 = arith.addf %add3A_58, %mul3A_62 : vector<32x6400xf32>
    %slice3A_64 = vector.extract_strided_slice %add3A_25 {offsets = [224, 0], sizes = [32, 6400], strides = [1, 1]} : vector<1024x6400xf32> to vector<32x6400xf32>
    %slice3A_65 = vector.extract_strided_slice %transpose3A {offsets = [7, 0], sizes = [1, 6400], strides = [1, 1]} : vector<32x6400xf32> to vector<1x6400xf32>
    %mul3A_66 = vector.broadcast %slice3A_65 : vector<1x6400xf32> to vector<32x6400xf32>
    %mul3A_67 = arith.mulf %slice3A_64, %mul3A_66 : vector<32x6400xf32>
    %add3A_68 = arith.addf %add3A_63, %mul3A_67 : vector<32x6400xf32>
    %slice3A_69 = vector.extract_strided_slice %add3A_25 {offsets = [256, 0], sizes = [32, 6400], strides = [1, 1]} : vector<1024x6400xf32> to vector<32x6400xf32>
    %slice3A_70 = vector.extract_strided_slice %transpose3A {offsets = [8, 0], sizes = [1, 6400], strides = [1, 1]} : vector<32x6400xf32> to vector<1x6400xf32>
    %mul3A_71 = vector.broadcast %slice3A_70 : vector<1x6400xf32> to vector<32x6400xf32>
    %mul3A_72 = arith.mulf %slice3A_69, %mul3A_71 : vector<32x6400xf32>
    %add3A_73 = arith.addf %add3A_68, %mul3A_72 : vector<32x6400xf32>
    %slice3A_74 = vector.extract_strided_slice %add3A_25 {offsets = [288, 0], sizes = [32, 6400], strides = [1, 1]} : vector<1024x6400xf32> to vector<32x6400xf32>
    %slice3A_75 = vector.extract_strided_slice %transpose3A {offsets = [9, 0], sizes = [1, 6400], strides = [1, 1]} : vector<32x6400xf32> to vector<1x6400xf32>
    %mul3A_76 = vector.broadcast %slice3A_75 : vector<1x6400xf32> to vector<32x6400xf32>
    %mul3A_77 = arith.mulf %slice3A_74, %mul3A_76 : vector<32x6400xf32>
    %add3A_78 = arith.addf %add3A_73, %mul3A_77 : vector<32x6400xf32>
    %slice3A_79 = vector.extract_strided_slice %add3A_25 {offsets = [320, 0], sizes = [32, 6400], strides = [1, 1]} : vector<1024x6400xf32> to vector<32x6400xf32>
    %slice3A_80 = vector.extract_strided_slice %transpose3A {offsets = [10, 0], sizes = [1, 6400], strides = [1, 1]} : vector<32x6400xf32> to vector<1x6400xf32>
    %mul3A_81 = vector.broadcast %slice3A_80 : vector<1x6400xf32> to vector<32x6400xf32>
    %mul3A_82 = arith.mulf %slice3A_79, %mul3A_81 : vector<32x6400xf32>
    %add3A_83 = arith.addf %add3A_78, %mul3A_82 : vector<32x6400xf32>
    %slice3A_84 = vector.extract_strided_slice %add3A_25 {offsets = [352, 0], sizes = [32, 6400], strides = [1, 1]} : vector<1024x6400xf32> to vector<32x6400xf32>
    %slice3A_85 = vector.extract_strided_slice %transpose3A {offsets = [11, 0], sizes = [1, 6400], strides = [1, 1]} : vector<32x6400xf32> to vector<1x6400xf32>
    %mul3A_86 = vector.broadcast %slice3A_85 : vector<1x6400xf32> to vector<32x6400xf32>
    %mul3A_87 = arith.mulf %slice3A_84, %mul3A_86 : vector<32x6400xf32>
    %add3A_88 = arith.addf %add3A_83, %mul3A_87 : vector<32x6400xf32>
    %slice3A_89 = vector.extract_strided_slice %add3A_25 {offsets = [384, 0], sizes = [32, 6400], strides = [1, 1]} : vector<1024x6400xf32> to vector<32x6400xf32>
    %slice3A_90 = vector.extract_strided_slice %transpose3A {offsets = [12, 0], sizes = [1, 6400], strides = [1, 1]} : vector<32x6400xf32> to vector<1x6400xf32>
    %mul3A_91 = vector.broadcast %slice3A_90 : vector<1x6400xf32> to vector<32x6400xf32>
    %mul3A_92 = arith.mulf %slice3A_89, %mul3A_91 : vector<32x6400xf32>
    %add3A_93 = arith.addf %add3A_88, %mul3A_92 : vector<32x6400xf32>
    %slice3A_94 = vector.extract_strided_slice %add3A_25 {offsets = [416, 0], sizes = [32, 6400], strides = [1, 1]} : vector<1024x6400xf32> to vector<32x6400xf32>
    %slice3A_95 = vector.extract_strided_slice %transpose3A {offsets = [13, 0], sizes = [1, 6400], strides = [1, 1]} : vector<32x6400xf32> to vector<1x6400xf32>
    %mul3A_96 = vector.broadcast %slice3A_95 : vector<1x6400xf32> to vector<32x6400xf32>
    %mul3A_97 = arith.mulf %slice3A_94, %mul3A_96 : vector<32x6400xf32>
    %add3A_98 = arith.addf %add3A_93, %mul3A_97 : vector<32x6400xf32>
    %slice3A_99 = vector.extract_strided_slice %add3A_25 {offsets = [448, 0], sizes = [32, 6400], strides = [1, 1]} : vector<1024x6400xf32> to vector<32x6400xf32>
    %slice3A_100 = vector.extract_strided_slice %transpose3A {offsets = [14, 0], sizes = [1, 6400], strides = [1, 1]} : vector<32x6400xf32> to vector<1x6400xf32>
    %mul3A_101 = vector.broadcast %slice3A_100 : vector<1x6400xf32> to vector<32x6400xf32>
    %mul3A_102 = arith.mulf %slice3A_99, %mul3A_101 : vector<32x6400xf32>
    %add3A_103 = arith.addf %add3A_98, %mul3A_102 : vector<32x6400xf32>
    %slice3A_104 = vector.extract_strided_slice %add3A_25 {offsets = [480, 0], sizes = [32, 6400], strides = [1, 1]} : vector<1024x6400xf32> to vector<32x6400xf32>
    %slice3A_105 = vector.extract_strided_slice %transpose3A {offsets = [15, 0], sizes = [1, 6400], strides = [1, 1]} : vector<32x6400xf32> to vector<1x6400xf32>
    %mul3A_106 = vector.broadcast %slice3A_105 : vector<1x6400xf32> to vector<32x6400xf32>
    %mul3A_107 = arith.mulf %slice3A_104, %mul3A_106 : vector<32x6400xf32>
    %add3A_108 = arith.addf %add3A_103, %mul3A_107 : vector<32x6400xf32>
    %slice3A_109 = vector.extract_strided_slice %add3A_25 {offsets = [512, 0], sizes = [32, 6400], strides = [1, 1]} : vector<1024x6400xf32> to vector<32x6400xf32>
    %slice3A_110 = vector.extract_strided_slice %transpose3A {offsets = [16, 0], sizes = [1, 6400], strides = [1, 1]} : vector<32x6400xf32> to vector<1x6400xf32>
    %mul3A_111 = vector.broadcast %slice3A_110 : vector<1x6400xf32> to vector<32x6400xf32>
    %mul3A_112 = arith.mulf %slice3A_109, %mul3A_111 : vector<32x6400xf32>
    %add3A_113 = arith.addf %add3A_108, %mul3A_112 : vector<32x6400xf32>
    %slice3A_114 = vector.extract_strided_slice %add3A_25 {offsets = [544, 0], sizes = [32, 6400], strides = [1, 1]} : vector<1024x6400xf32> to vector<32x6400xf32>
    %slice3A_115 = vector.extract_strided_slice %transpose3A {offsets = [17, 0], sizes = [1, 6400], strides = [1, 1]} : vector<32x6400xf32> to vector<1x6400xf32>
    %mul3A_116 = vector.broadcast %slice3A_115 : vector<1x6400xf32> to vector<32x6400xf32>
    %mul3A_117 = arith.mulf %slice3A_114, %mul3A_116 : vector<32x6400xf32>
    %add3A_118 = arith.addf %add3A_113, %mul3A_117 : vector<32x6400xf32>
    %slice3A_119 = vector.extract_strided_slice %add3A_25 {offsets = [576, 0], sizes = [32, 6400], strides = [1, 1]} : vector<1024x6400xf32> to vector<32x6400xf32>
    %slice3A_120 = vector.extract_strided_slice %transpose3A {offsets = [18, 0], sizes = [1, 6400], strides = [1, 1]} : vector<32x6400xf32> to vector<1x6400xf32>
    %mul3A_121 = vector.broadcast %slice3A_120 : vector<1x6400xf32> to vector<32x6400xf32>
    %mul3A_122 = arith.mulf %slice3A_119, %mul3A_121 : vector<32x6400xf32>
    %add3A_123 = arith.addf %add3A_118, %mul3A_122 : vector<32x6400xf32>
    %slice3A_124 = vector.extract_strided_slice %add3A_25 {offsets = [608, 0], sizes = [32, 6400], strides = [1, 1]} : vector<1024x6400xf32> to vector<32x6400xf32>
    %slice3A_125 = vector.extract_strided_slice %transpose3A {offsets = [19, 0], sizes = [1, 6400], strides = [1, 1]} : vector<32x6400xf32> to vector<1x6400xf32>
    %mul3A_126 = vector.broadcast %slice3A_125 : vector<1x6400xf32> to vector<32x6400xf32>
    %mul3A_127 = arith.mulf %slice3A_124, %mul3A_126 : vector<32x6400xf32>
    %add3A_128 = arith.addf %add3A_123, %mul3A_127 : vector<32x6400xf32>
    %slice3A_129 = vector.extract_strided_slice %add3A_25 {offsets = [640, 0], sizes = [32, 6400], strides = [1, 1]} : vector<1024x6400xf32> to vector<32x6400xf32>
    %slice3A_130 = vector.extract_strided_slice %transpose3A {offsets = [20, 0], sizes = [1, 6400], strides = [1, 1]} : vector<32x6400xf32> to vector<1x6400xf32>
    %mul3A_131 = vector.broadcast %slice3A_130 : vector<1x6400xf32> to vector<32x6400xf32>
    %mul3A_132 = arith.mulf %slice3A_129, %mul3A_131 : vector<32x6400xf32>
    %add3A_133 = arith.addf %add3A_128, %mul3A_132 : vector<32x6400xf32>
    %slice3A_134 = vector.extract_strided_slice %add3A_25 {offsets = [672, 0], sizes = [32, 6400], strides = [1, 1]} : vector<1024x6400xf32> to vector<32x6400xf32>
    %slice3A_135 = vector.extract_strided_slice %transpose3A {offsets = [21, 0], sizes = [1, 6400], strides = [1, 1]} : vector<32x6400xf32> to vector<1x6400xf32>
    %mul3A_136 = vector.broadcast %slice3A_135 : vector<1x6400xf32> to vector<32x6400xf32>
    %mul3A_137 = arith.mulf %slice3A_134, %mul3A_136 : vector<32x6400xf32>
    %add3A_138 = arith.addf %add3A_133, %mul3A_137 : vector<32x6400xf32>
    %slice3A_139 = vector.extract_strided_slice %add3A_25 {offsets = [704, 0], sizes = [32, 6400], strides = [1, 1]} : vector<1024x6400xf32> to vector<32x6400xf32>
    %slice3A_140 = vector.extract_strided_slice %transpose3A {offsets = [22, 0], sizes = [1, 6400], strides = [1, 1]} : vector<32x6400xf32> to vector<1x6400xf32>
    %mul3A_141 = vector.broadcast %slice3A_140 : vector<1x6400xf32> to vector<32x6400xf32>
    %mul3A_142 = arith.mulf %slice3A_139, %mul3A_141 : vector<32x6400xf32>
    %add3A_143 = arith.addf %add3A_138, %mul3A_142 : vector<32x6400xf32>
    %slice3A_144 = vector.extract_strided_slice %add3A_25 {offsets = [736, 0], sizes = [32, 6400], strides = [1, 1]} : vector<1024x6400xf32> to vector<32x6400xf32>
    %slice3A_145 = vector.extract_strided_slice %transpose3A {offsets = [23, 0], sizes = [1, 6400], strides = [1, 1]} : vector<32x6400xf32> to vector<1x6400xf32>
    %mul3A_146 = vector.broadcast %slice3A_145 : vector<1x6400xf32> to vector<32x6400xf32>
    %mul3A_147 = arith.mulf %slice3A_144, %mul3A_146 : vector<32x6400xf32>
    %add3A_148 = arith.addf %add3A_143, %mul3A_147 : vector<32x6400xf32>
    %slice3A_149 = vector.extract_strided_slice %add3A_25 {offsets = [768, 0], sizes = [32, 6400], strides = [1, 1]} : vector<1024x6400xf32> to vector<32x6400xf32>
    %slice3A_150 = vector.extract_strided_slice %transpose3A {offsets = [24, 0], sizes = [1, 6400], strides = [1, 1]} : vector<32x6400xf32> to vector<1x6400xf32>
    %mul3A_151 = vector.broadcast %slice3A_150 : vector<1x6400xf32> to vector<32x6400xf32>
    %mul3A_152 = arith.mulf %slice3A_149, %mul3A_151 : vector<32x6400xf32>
    %add3A_153 = arith.addf %add3A_148, %mul3A_152 : vector<32x6400xf32>
    %slice3A_154 = vector.extract_strided_slice %add3A_25 {offsets = [800, 0], sizes = [32, 6400], strides = [1, 1]} : vector<1024x6400xf32> to vector<32x6400xf32>
    %slice3A_155 = vector.extract_strided_slice %transpose3A {offsets = [25, 0], sizes = [1, 6400], strides = [1, 1]} : vector<32x6400xf32> to vector<1x6400xf32>
    %mul3A_156 = vector.broadcast %slice3A_155 : vector<1x6400xf32> to vector<32x6400xf32>
    %mul3A_157 = arith.mulf %slice3A_154, %mul3A_156 : vector<32x6400xf32>
    %add3A_158 = arith.addf %add3A_153, %mul3A_157 : vector<32x6400xf32>
    %slice3A_159 = vector.extract_strided_slice %add3A_25 {offsets = [832, 0], sizes = [32, 6400], strides = [1, 1]} : vector<1024x6400xf32> to vector<32x6400xf32>
    %slice3A_160 = vector.extract_strided_slice %transpose3A {offsets = [26, 0], sizes = [1, 6400], strides = [1, 1]} : vector<32x6400xf32> to vector<1x6400xf32>
    %mul3A_161 = vector.broadcast %slice3A_160 : vector<1x6400xf32> to vector<32x6400xf32>
    %mul3A_162 = arith.mulf %slice3A_159, %mul3A_161 : vector<32x6400xf32>
    %add3A_163 = arith.addf %add3A_158, %mul3A_162 : vector<32x6400xf32>
    %slice3A_164 = vector.extract_strided_slice %add3A_25 {offsets = [864, 0], sizes = [32, 6400], strides = [1, 1]} : vector<1024x6400xf32> to vector<32x6400xf32>
    %slice3A_165 = vector.extract_strided_slice %transpose3A {offsets = [27, 0], sizes = [1, 6400], strides = [1, 1]} : vector<32x6400xf32> to vector<1x6400xf32>
    %mul3A_166 = vector.broadcast %slice3A_165 : vector<1x6400xf32> to vector<32x6400xf32>
    %mul3A_167 = arith.mulf %slice3A_164, %mul3A_166 : vector<32x6400xf32>
    %add3A_168 = arith.addf %add3A_163, %mul3A_167 : vector<32x6400xf32>
    %slice3A_169 = vector.extract_strided_slice %add3A_25 {offsets = [896, 0], sizes = [32, 6400], strides = [1, 1]} : vector<1024x6400xf32> to vector<32x6400xf32>
    %slice3A_170 = vector.extract_strided_slice %transpose3A {offsets = [28, 0], sizes = [1, 6400], strides = [1, 1]} : vector<32x6400xf32> to vector<1x6400xf32>
    %mul3A_171 = vector.broadcast %slice3A_170 : vector<1x6400xf32> to vector<32x6400xf32>
    %mul3A_172 = arith.mulf %slice3A_169, %mul3A_171 : vector<32x6400xf32>
    %add3A_173 = arith.addf %add3A_168, %mul3A_172 : vector<32x6400xf32>
    %slice3A_174 = vector.extract_strided_slice %add3A_25 {offsets = [928, 0], sizes = [32, 6400], strides = [1, 1]} : vector<1024x6400xf32> to vector<32x6400xf32>
    %slice3A_175 = vector.extract_strided_slice %transpose3A {offsets = [29, 0], sizes = [1, 6400], strides = [1, 1]} : vector<32x6400xf32> to vector<1x6400xf32>
    %mul3A_176 = vector.broadcast %slice3A_175 : vector<1x6400xf32> to vector<32x6400xf32>
    %mul3A_177 = arith.mulf %slice3A_174, %mul3A_176 : vector<32x6400xf32>
    %add3A_178 = arith.addf %add3A_173, %mul3A_177 : vector<32x6400xf32>
    %slice3A_179 = vector.extract_strided_slice %add3A_25 {offsets = [960, 0], sizes = [32, 6400], strides = [1, 1]} : vector<1024x6400xf32> to vector<32x6400xf32>
    %slice3A_180 = vector.extract_strided_slice %transpose3A {offsets = [30, 0], sizes = [1, 6400], strides = [1, 1]} : vector<32x6400xf32> to vector<1x6400xf32>
    %mul3A_181 = vector.broadcast %slice3A_180 : vector<1x6400xf32> to vector<32x6400xf32>
    %mul3A_182 = arith.mulf %slice3A_179, %mul3A_181 : vector<32x6400xf32>
    %add3A_183 = arith.addf %add3A_178, %mul3A_182 : vector<32x6400xf32>
    %slice3A_184 = vector.extract_strided_slice %add3A_25 {offsets = [992, 0], sizes = [32, 6400], strides = [1, 1]} : vector<1024x6400xf32> to vector<32x6400xf32>
    %slice3A_185 = vector.extract_strided_slice %transpose3A {offsets = [31, 0], sizes = [1, 6400], strides = [1, 1]} : vector<32x6400xf32> to vector<1x6400xf32>
    %mul3A_186 = vector.broadcast %slice3A_185 : vector<1x6400xf32> to vector<32x6400xf32>
    %mul3A_187 = arith.mulf %slice3A_184, %mul3A_186 : vector<32x6400xf32>
    %add3A_188 = arith.addf %add3A_183, %mul3A_187 : vector<32x6400xf32>
    %mul3A_189 = arith.constant 0.176776692 : f32
    %mul3A_190 = vector.broadcast %mul3A_189 : f32 to vector<32x6400xf32>
    %mul3A_191 = arith.mulf %add3A_188, %mul3A_190 : vector<32x6400xf32>
    %transpose3A_192 = tpu.transpose %mul3A_191, [1, 0] : vector<32x6400xf32> -> vector<6400x32xf32>
    %swap3A = arith.constant 0 : index
    %swap3A_193 = arith.constant 0 : index
    %swap3A_194 = vector.load %arg7[%swap3A, %swap3A_193] : memref<6400x32xf32, #tpu.memory_space<vmem>>, vector<6400x32xf32>
    tpu.vector_store %arg7[%swap3A, %swap3A_193], %transpose3A_192 {strides = array<i32>} : memref<6400x32xf32, #tpu.memory_space<vmem>>, vector<6400x32xf32>,
    return
  }
  func.func @transform_0(%arg0: i32) -> (i32, i32) {
    %add3A = arith.constant 0 : i32
    %add3A_0 = arith.addi %arg0, %add3A : i32
    %c0_i32 = arith.constant 0 : i32
    %c0_i32_1 = arith.constant 0 : i32
    return %c0_i32, %add3A_0 : i32, i32
  }
  func.func @transform_1(%arg0: i32) -> (i32, i32) {
    %c0_i32 = arith.constant 0 : i32
    %c0_i32_0 = arith.constant 0 : i32
    return %arg0, %c0_i32 : i32, i32
  }
  func.func @transform_2(%arg0: i32) -> (i32, i32) {
    %c0_i32 = arith.constant 0 : i32
    %c0_i32_0 = arith.constant 0 : i32
    %c0_i32_1 = arith.constant 0 : i32
    return %c0_i32, %c0_i32_0 : i32, i32
  }
  func.func @transform_3(%arg0: i32) -> (i32, i32) {
    %c0_i32 = arith.constant 0 : i32
    %c0_i32_0 = arith.constant 0 : i32
    %c0_i32_1 = arith.constant 0 : i32
    return %c0_i32, %c0_i32_0 : i32, i32
  }
  func.func @transform_4(%arg0: i32) -> (i32, i32) {
    %c0_i32 = arith.constant 0 : i32
    %c0_i32_0 = arith.constant 0 : i32
    %c0_i32_1 = arith.constant 0 : i32
    return %c0_i32, %c0_i32_0 : i32, i32
  }
  func.func @transform_5(%arg0: i32) -> (i32, i32) {
    %c0_i32 = arith.constant 0 : i32
    %c0_i32_0 = arith.constant 0 : i32
    %c0_i32_1 = arith.constant 0 : i32
    return %c0_i32, %c0_i32_0 : i32, i32
  }
  func.func @transform_6(%arg0: i32) -> (i32, i32) {
    %c0_i32 = arith.constant 0 : i32
    %c0_i32_0 = arith.constant 0 : i32
    return %arg0, %c0_i32 : i32, i32
  }
}

module attributes {stable_mosaic.version = 14 : i64} {
  func.func @_final_body(%arg0: i32, %arg1: memref<1x10000x32xf32, #tpu.memory_space<vmem>>, %arg2: memref<1x10000x32xf32, #tpu.memory_space<vmem>>, %arg3: memref<10000x4xf32, #tpu.memory_space<vmem>>, %arg4: memref<10000x32xf32, #tpu.memory_space<vmem>>, %arg5: memref<4x32x32xf32, #tpu.memory_space<vmem>>, %arg6: memref<32x10000xf32, #tpu.memory_space<vmem>>) attributes {dimension_semantics = [#tpu.dimension_semantics<arbitrary>], iteration_bounds = array<i64: 1>, scalar_prefetch = 0 : i64, scratch_operands = 0 : i64, tpu.core_type = #tpu.core_type<tc>, window_params = [{transform_indices = @transform_0, window_bounds = array<i64: 1, 10000, 32>}, {transform_indices = @transform_1, window_bounds = array<i64: 1, 10000, 32>}, {pipeline_mode = #tpu.pipeline_mode<synchronous>, transform_indices = @transform_2, window_bounds = array<i64: 10000, 4>}, {pipeline_mode = #tpu.pipeline_mode<synchronous>, transform_indices = @transform_3, window_bounds = array<i64: 10000, 32>}, {pipeline_mode = #tpu.pipeline_mode<synchronous>, transform_indices = @transform_4, window_bounds = array<i64: 4, 32, 32>}, {pipeline_mode = #tpu.pipeline_mode<synchronous>, transform_indices = @transform_5, window_bounds = array<i64: 32, 10000>}]} {
    %get3A = arith.constant 0 : index
    %get3A_0 = arith.constant 0 : index
    %get3A_1 = arith.constant 0 : index
    %get3A_2 = vector.load %arg1[%get3A, %get3A_0, %get3A_1] : memref<1x10000x32xf32, #tpu.memory_space<vmem>>, vector<1x10000x32xf32>
    %get3A_3 = vector.shape_cast %get3A_2 : vector<1x10000x32xf32> to vector<10000x32xf32>
    %get3A_4 = arith.constant 0 : index
    %get3A_5 = arith.constant 0 : index
    %get3A_6 = arith.constant 0 : index
    %get3A_7 = vector.load %arg2[%get3A_4, %get3A_5, %get3A_6] : memref<1x10000x32xf32, #tpu.memory_space<vmem>>, vector<1x10000x32xf32>
    %get3A_8 = vector.shape_cast %get3A_7 : vector<1x10000x32xf32> to vector<10000x32xf32>
    %add3A = arith.addf %get3A_3, %get3A_8 : vector<10000x32xf32>
    %mul3A = arith.constant 2.500000e-01 : f32
    %mul3A_9 = vector.broadcast %mul3A : f32 to vector<10000x32xf32>
    %mul3A_10 = arith.mulf %add3A, %mul3A_9 : vector<10000x32xf32>
    %get3A_11 = arith.constant 0 : index
    %get3A_12 = arith.constant 0 : index
    %get3A_13 = vector.load %arg3[%get3A_11, %get3A_12] : memref<10000x4xf32, #tpu.memory_space<vmem>>, vector<10000x4xf32>
    %broadcast_in_dim3A = arith.constant 0.000000e+00 : f32
    %broadcast_in_dim3A_14 = vector.broadcast %broadcast_in_dim3A : f32 to vector<10000x32xf32>
    %slice3A = vector.extract_strided_slice %get3A_13 {offsets = [0, 0], sizes = [10000, 1], strides = [1, 1]} : vector<10000x4xf32> to vector<10000x1xf32>
    %get3A_15 = arith.constant 0 : index
    %get3A_16 = arith.constant 0 : index
    %get3A_17 = arith.constant 0 : index
    %get3A_18 = vector.load %arg5[%get3A_15, %get3A_16, %get3A_17] : memref<4x32x32xf32, #tpu.memory_space<vmem>>, vector<1x32x32xf32>
    %get3A_19 = vector.shape_cast %get3A_18 : vector<1x32x32xf32> to vector<32x32xf32>
    %dot_general3A = arith.constant dense<0.000000e+00> : vector<10000x32xf32>
    %dot_general3A_20 = tpu.matmul %mul3A_10, %get3A_19, %dot_general3A {dimension_numbers = #tpu.dot_dimension_numbers<[1], [0], [0], [1], [0, 0, 1, 1], [], []>, transpose_lhs_hint = false} : vector<10000x32xf32>, vector<32x32xf32>, vector<10000x32xf32> -> vector<10000x32xf32>
    %mul3A_21 = vector.broadcast %slice3A : vector<10000x1xf32> to vector<10000x32xf32>
    %mul3A_22 = arith.mulf %mul3A_21, %dot_general3A_20 : vector<10000x32xf32>
    %add3A_23 = arith.addf %broadcast_in_dim3A_14, %mul3A_22 : vector<10000x32xf32>
    %slice3A_24 = vector.extract_strided_slice %get3A_13 {offsets = [0, 1], sizes = [10000, 1], strides = [1, 1]} : vector<10000x4xf32> to vector<10000x1xf32>
    %get3A_25 = arith.constant 1 : index
    %get3A_26 = arith.constant 0 : index
    %get3A_27 = arith.constant 0 : index
    %get3A_28 = vector.load %arg5[%get3A_25, %get3A_26, %get3A_27] : memref<4x32x32xf32, #tpu.memory_space<vmem>>, vector<1x32x32xf32>
    %get3A_29 = vector.shape_cast %get3A_28 : vector<1x32x32xf32> to vector<32x32xf32>
    %dot_general3A_30 = arith.constant dense<0.000000e+00> : vector<10000x32xf32>
    %dot_general3A_31 = tpu.matmul %mul3A_10, %get3A_29, %dot_general3A_30 {dimension_numbers = #tpu.dot_dimension_numbers<[1], [0], [0], [1], [0, 0, 1, 1], [], []>, transpose_lhs_hint = false} : vector<10000x32xf32>, vector<32x32xf32>, vector<10000x32xf32> -> vector<10000x32xf32>
    %mul3A_32 = vector.broadcast %slice3A_24 : vector<10000x1xf32> to vector<10000x32xf32>
    %mul3A_33 = arith.mulf %mul3A_32, %dot_general3A_31 : vector<10000x32xf32>
    %add3A_34 = arith.addf %add3A_23, %mul3A_33 : vector<10000x32xf32>
    %slice3A_35 = vector.extract_strided_slice %get3A_13 {offsets = [0, 2], sizes = [10000, 1], strides = [1, 1]} : vector<10000x4xf32> to vector<10000x1xf32>
    %get3A_36 = arith.constant 2 : index
    %get3A_37 = arith.constant 0 : index
    %get3A_38 = arith.constant 0 : index
    %get3A_39 = vector.load %arg5[%get3A_36, %get3A_37, %get3A_38] : memref<4x32x32xf32, #tpu.memory_space<vmem>>, vector<1x32x32xf32>
    %get3A_40 = vector.shape_cast %get3A_39 : vector<1x32x32xf32> to vector<32x32xf32>
    %dot_general3A_41 = arith.constant dense<0.000000e+00> : vector<10000x32xf32>
    %dot_general3A_42 = tpu.matmul %mul3A_10, %get3A_40, %dot_general3A_41 {dimension_numbers = #tpu.dot_dimension_numbers<[1], [0], [0], [1], [0, 0, 1, 1], [], []>, transpose_lhs_hint = false} : vector<10000x32xf32>, vector<32x32xf32>, vector<10000x32xf32> -> vector<10000x32xf32>
    %mul3A_43 = vector.broadcast %slice3A_35 : vector<10000x1xf32> to vector<10000x32xf32>
    %mul3A_44 = arith.mulf %mul3A_43, %dot_general3A_42 : vector<10000x32xf32>
    %add3A_45 = arith.addf %add3A_34, %mul3A_44 : vector<10000x32xf32>
    %slice3A_46 = vector.extract_strided_slice %get3A_13 {offsets = [0, 3], sizes = [10000, 1], strides = [1, 1]} : vector<10000x4xf32> to vector<10000x1xf32>
    %get3A_47 = arith.constant 3 : index
    %get3A_48 = arith.constant 0 : index
    %get3A_49 = arith.constant 0 : index
    %get3A_50 = vector.load %arg5[%get3A_47, %get3A_48, %get3A_49] : memref<4x32x32xf32, #tpu.memory_space<vmem>>, vector<1x32x32xf32>
    %get3A_51 = vector.shape_cast %get3A_50 : vector<1x32x32xf32> to vector<32x32xf32>
    %dot_general3A_52 = arith.constant dense<0.000000e+00> : vector<10000x32xf32>
    %dot_general3A_53 = tpu.matmul %mul3A_10, %get3A_51, %dot_general3A_52 {dimension_numbers = #tpu.dot_dimension_numbers<[1], [0], [0], [1], [0, 0, 1, 1], [], []>, transpose_lhs_hint = false} : vector<10000x32xf32>, vector<32x32xf32>, vector<10000x32xf32> -> vector<10000x32xf32>
    %mul3A_54 = vector.broadcast %slice3A_46 : vector<10000x1xf32> to vector<10000x32xf32>
    %mul3A_55 = arith.mulf %mul3A_54, %dot_general3A_53 : vector<10000x32xf32>
    %add3A_56 = arith.addf %add3A_45, %mul3A_55 : vector<10000x32xf32>
    %mul3A_57 = arith.constant 0.0883883461 : f32
    %mul3A_58 = vector.broadcast %mul3A_57 : f32 to vector<10000x32xf32>
    %mul3A_59 = arith.mulf %add3A_56, %mul3A_58 : vector<10000x32xf32>
    %get3A_60 = arith.constant 0 : index
    %get3A_61 = arith.constant 0 : index
    %get3A_62 = vector.load %arg4[%get3A_60, %get3A_61] : memref<10000x32xf32, #tpu.memory_space<vmem>>, vector<10000x32xf32>
    %mul3A_63 = arith.constant 0.382683426 : f32
    %mul3A_64 = vector.broadcast %mul3A_63 : f32 to vector<10000x32xf32>
    %mul3A_65 = arith.mulf %mul3A_64, %get3A_62 : vector<10000x32xf32>
    %mul3A_66 = arith.constant 0.923879504 : f32
    %mul3A_67 = vector.broadcast %mul3A_66 : f32 to vector<10000x32xf32>
    %mul3A_68 = arith.mulf %mul3A_67, %mul3A_59 : vector<10000x32xf32>
    %add3A_69 = arith.addf %mul3A_65, %mul3A_68 : vector<10000x32xf32>
    %transpose3A = tpu.transpose %add3A_69, [1, 0] : vector<10000x32xf32> -> vector<32x10000xf32>
    %swap3A = arith.constant 0 : index
    %swap3A_70 = arith.constant 0 : index
    %swap3A_71 = vector.load %arg6[%swap3A, %swap3A_70] : memref<32x10000xf32, #tpu.memory_space<vmem>>, vector<32x10000xf32>
    tpu.vector_store %arg6[%swap3A, %swap3A_70], %transpose3A {strides = array<i32>} : memref<32x10000xf32, #tpu.memory_space<vmem>>, vector<32x10000xf32>,
    return
  }
  func.func @transform_0(%arg0: i32) -> (i32, i32, i32) {
    %c0_i32 = arith.constant 0 : i32
    %c0_i32_0 = arith.constant 0 : i32
    %c0_i32_1 = arith.constant 0 : i32
    %c0_i32_2 = arith.constant 0 : i32
    return %c0_i32, %c0_i32_0, %c0_i32_1 : i32, i32, i32
  }
  func.func @transform_1(%arg0: i32) -> (i32, i32, i32) {
    %c1_i32 = arith.constant 1 : i32
    %c0_i32 = arith.constant 0 : i32
    %c0_i32_0 = arith.constant 0 : i32
    %c0_i32_1 = arith.constant 0 : i32
    return %c1_i32, %c0_i32, %c0_i32_0 : i32, i32, i32
  }
  func.func @transform_2(%arg0: i32) -> (i32, i32) {
    %c0_i32 = arith.constant 0 : i32
    %c0_i32_0 = arith.constant 0 : i32
    %c0_i32_1 = arith.constant 0 : i32
    return %c0_i32, %c0_i32_0 : i32, i32
  }
  func.func @transform_3(%arg0: i32) -> (i32, i32) {
    %c0_i32 = arith.constant 0 : i32
    %c0_i32_0 = arith.constant 0 : i32
    %c0_i32_1 = arith.constant 0 : i32
    return %c0_i32, %c0_i32_0 : i32, i32
  }
  func.func @transform_4(%arg0: i32) -> (i32, i32, i32) {
    %c0_i32 = arith.constant 0 : i32
    %c0_i32_0 = arith.constant 0 : i32
    %c0_i32_1 = arith.constant 0 : i32
    %c0_i32_2 = arith.constant 0 : i32
    return %c0_i32, %c0_i32_0, %c0_i32_1 : i32, i32, i32
  }
  func.func @transform_5(%arg0: i32) -> (i32, i32) {
    %c0_i32 = arith.constant 0 : i32
    %c0_i32_0 = arith.constant 0 : i32
    %c0_i32_1 = arith.constant 0 : i32
    return %c0_i32, %c0_i32_0 : i32, i32
  }
}

</mosaic_0001>

<sc_bundles>
// kernel: kernel.10.cloned.1.call-start
scs
__scs_entry_jumppad:
0x0: {  	(pc) =	sbr.rel $0x88, $3  }
0x1: {  	(tag) =	ssettag $0x0;
	lr =	simm.s32 $0x1  }
0x2: {  	[smem:$0x3F95] =	sst lr;
	_ =	strace $0xD0000000  }
0x3: {  	_ = 	snop  }
0x4: {  	_ = 	snop  }
0x5: {  	_ = 	snop  }
0x6: {  	_ = 	snop  }
0x7: {  	_ = 	snop  }
__scs_overlays_trampoline_lowered:
0x8: {  	[smem:$0x3FA4] =	sst s0  }
0x9: {  	[smem:$0x3FA5] =	sst s1  }
0xa: {  	[smem:$0x3FA6] =	sst s2  }
0xb: {  	[smem:$0x3FA7] =	sst s3  }
0xc: {  	[smem:$0x3FA8] =	sst s4  }
0xd: {  	[smem:$0x3FA9] =	sst s5  }
0xe: {  	[smem:$0x3FAA] =	sst s6  }
0xf: {  	[smem:$0x3FAB] =	sst s7  }
0x10: {  	[smem:$0x3FAC] =	sst s8  }
0x11: {  	[smem:$0x3FAD] =	sst s9;
	s0 =	simm.s32 @!p0 $0x0  }
0x12: {  	s1 =	sld [smem:$0x3F93];
	s0 =	simm.s32 @p0 $0x1  }
0x13: {  	[smem:$0x3FAE] =	sst s0;
	s0 =	simm.s32 @!p1 $0x0  }
0x14: {  	s2 =	sld [smem:$0x3F92];
	s0 =	simm.s32 @p1 $0x1  }
0x15: {  	[smem:$0x3FAF] =	sst s0;
	s0 =	simm.s32 @!p2 $0x0  }
0x16: {  	s3 =	sld [smem:$0x3FDB];
	s0 =	simm.s32 @p2 $0x1  }
0x17: {  	s4 =	simm.s32 $0x1BF5;
	[smem:$0x3FB1] =	sst s0  }
0x18: {  	s0 =	sld [smem:$0x3F94];
	_ =	swait.ge [sflag:s4], $0x0  }
0x19: {  	s7 =	sld [smem:$0x3F95]  }
0x1a: {  	s8 =	sadd.s32 $0xFFFFE003, lr  }
0x1b: {  	s9 =	sadd.s32 $0xFFFFFEF7, lr;
	s5 =	simm.s32 $0xFFFFFFFF;
	p2 =	slt.u32 s8, $0xFFFFF086  }
0x1c: {  	p1 =	slt.u32 s9, $0xF7A;
	s5 =	simm.s32 @!p2 $0x0  }
0x1d: {  	s5 =	simm.s32 @p1 $0x1;
	p0 =	seq.s32 s7, s2  }
0x1e: {  	s7 =	smul.u32 @!p0 $0xF7A, s2;
	p2 =	seq.s32 @!p0 s5, $0x0  }
0x1f: {  	s9 =	smul.u32 $0xF7A, s1;
	s8 =	simm.s32 @!p0 $0x1BF5;
	p2 =	por !p2, p0  }
0x20: {  	[sflag:s8] =	ssyncset.s32 @!p0 $0xFFFFF086;
	s6 =	sadd.s32 @!p0 s3, s7;
	s7 =	simm.s32 @!p0 $0x108  }
0x21: {  	s3 =	sadd.s32 s3, s9;
	s6 =	sadd.s32 @!p0 $0x88, s6;
	s7 =	simm.s32 @p2 $0x1082  }
0x22: {  	[simem:s7], [sflag:s8] =	dma.local @!p0 [hbm:s6], $0xF7A  }
0x23: {  	s9 =	sor.u32 $0xD0000000, s2;
	s6 =	simm.s32 $0x108;
	_ =	swait.ge @!p0 [sflag:s8], $0x0  }
0x24: {  	s3 =	sadd.s32 $0x88, s3;
	s6 =	simm.s32 @!p1 $0x1082;
	[sflag:s4] =	ssyncset.s32 $0xFFFFF086  }
0x25: {  	[simem:s6], [sflag:s4] =	dma.local [hbm:s3], $0xF7A  }
0x26: {  	[smem:$0x3F95] =	sst s1;
	(tag) =	ssettag s2;
	_ =	strace s9  }
0x27: {  	s1 =	sld [smem:$0x3FA5]  }
0x28: {  	s2 =	sld [smem:$0x3FA6]  }
0x29: {  	s4 =	sld [smem:$0x3FA8]  }
0x2a: {  	p0 =	seq.s32 s5, $0x0;
	s5 =	sld [smem:$0x3FA9]  }
0x2b: {  	s6 =	sld [smem:$0x3FAA]  }
0x2c: {  	s7 =	sld [smem:$0x3FAB]  }
0x2d: {  	s3 =	simm.s32 $0x108;
	s8 =	sld [smem:$0x3FAC]  }
0x2e: {  	s3 =	simm.s32 @!p0 $0x1082;
	s9 =	sld [smem:$0x3FAD]  }
0x2f: {  	lr =	sadd.s32 s0, s3;
	s0 =	sld [smem:$0x3FA4]  }
0x30: {  	s3 =	sld [smem:$0x3FA7]  }
0x31: {  	[smem:$0x3FB0] =	sst s10  }
0x32: {  	s10 =	sld [smem:$0x3FAE];
	_ =	sdelay $0x3  }
0x33: {  	p0 =	seq.s32 s10, $0x1;
	s10 =	sld [smem:$0x3FB0];
	_ =	sdelay $0x3  }
0x34: {  	[smem:$0x3FB0] =	sst s10  }
0x35: {  	s10 =	sld [smem:$0x3FAF];
	_ =	sdelay $0x3  }
0x36: {  	p1 =	seq.s32 s10, $0x1;
	s10 =	sld [smem:$0x3FB0];
	_ =	sdelay $0x3  }
0x37: {  	[smem:$0x3FB0] =	sst s10  }
0x38: {  	s10 =	sld [smem:$0x3FB1]  }
0x39: {  	_ = 	snop;
	(pc) =	sbr.ind lr, $3  }
0x3a: {  	_ = 	snop  }
0x3b: {  	_ = 	snop  }
0x3c: {  	p2 =	seq.s32 s10, $0x1;
	s10 =	sld [smem:$0x3FB0]  }
0x3d: {  	_ =	shalt  }
0x3e: {  	_ =	shalt  }
0x3f: {  	_ =	shalt  }
0x40: {  	_ =	shalt  }
0x41: {  	_ =	shalt  }
0x42: {  	_ =	shalt  }
0x43: {  	_ =	shalt  }
0x44: {  	_ =	shalt  }
0x45: {  	_ =	shalt  }
0x46: {  	_ =	shalt  }
0x47: {  	_ =	shalt  }
0x48: {  	_ =	shalt  }
0x49: {  	_ =	shalt  }
0x4a: {  	_ =	shalt  }
0x4b: {  	_ =	shalt  }
0x4c: {  	_ =	shalt  }
0x4d: {  	_ =	shalt  }
0x4e: {  	_ =	shalt  }
0x4f: {  	_ =	shalt  }
0x50: {  	_ =	shalt  }
0x51: {  	_ =	shalt  }
0x52: {  	_ =	shalt  }
0x53: {  	_ =	shalt  }
0x54: {  	_ =	shalt  }
0x55: {  	_ =	shalt  }
0x56: {  	_ =	shalt  }
0x57: {  	_ =	shalt  }
0x58: {  	_ =	shalt  }
0x59: {  	_ =	shalt  }
0x5a: {  	_ =	shalt  }
0x5b: {  	_ =	shalt  }
0x5c: {  	_ =	shalt  }
0x5d: {  	_ =	shalt  }
0x5e: {  	_ =	shalt  }
0x5f: {  	_ =	shalt  }
0x60: {  	_ =	shalt  }
0x61: {  	_ =	shalt  }
0x62: {  	_ =	shalt  }
0x63: {  	_ =	shalt  }
0x64: {  	_ =	shalt  }
0x65: {  	_ =	shalt  }
0x66: {  	_ =	shalt  }
0x67: {  	_ =	shalt  }
0x68: {  	_ =	shalt  }
0x69: {  	_ =	shalt  }
0x6a: {  	_ =	shalt  }
0x6b: {  	_ =	shalt  }
0x6c: {  	_ =	shalt  }
0x6d: {  	_ =	shalt  }
0x6e: {  	_ =	shalt  }
0x6f: {  	_ =	shalt  }
0x70: {  	_ =	shalt  }
0x71: {  	_ =	shalt  }
0x72: {  	_ =	shalt  }
0x73: {  	_ =	shalt  }
0x74: {  	_ =	shalt  }
0x75: {  	_ =	shalt  }
0x76: {  	_ =	shalt  }
0x77: {  	_ =	shalt  }
0x78: {  	_ =	shalt  }
0x79: {  	_ =	shalt  }
0x7a: {  	_ =	shalt  }
0x7b: {  	_ =	shalt  }
0x7c: {  	_ =	shalt  }
0x7d: {  	_ =	shalt  }
0x7e: {  	_ =	shalt  }
0x7f: {  	_ =	shalt  }
0x80: {  	_ =	shalt  }
0x81: {  	_ =	shalt  }
0x82: {  	_ =	shalt  }
0x83: {  	_ =	shalt  }
0x84: {  	_ =	shalt  }
0x85: {  	_ =	shalt  }
0x86: {  	_ =	shalt  }
0x87: {  	_ =	shalt  }
.Lfunc_end0:
.L_simem_size_0:
called_computation.1_lowered:
.L_overlay_start_0:
0x88: {  	s2 =	sld [smem:$0x3FD9]  }
0x89: {  	s3 =	sld [smem:$0x3FFE];
	_ =	sdelay $0x1  }
0x8a: {  	s1 =	srdreg.scid  }
0x8b: {  	s0 =	sand.u32 $0x1, s1  }
0x8c: {  	s17 =	sshll.u32 s0, $0xA;
	s2 =	sadd.s32 s3, s2  }
0x8d: {  	s2 =	sadd.s32 s2, s17  }
0x8e: {  	[smem:$0x3FBC] =	sst s2  }
0x8f: {  	_ = 	snop  }
0x90: {  	s2 =	sld [smem:$0x3FC6]  }
0x91: {  	s18 =	sld [smem:$0x3FD0];
	(tm) =	ssettm $0x1  }
0x92: {  	s4 =	sld [smem:$0x3FFB];
	_ =	sdelay $0x3  }
0x93: {  	_ =	strace s4  }
0x94: {  	s4 =	sld [smem:$0x3FFC];
	_ =	sdelay $0x3  }
0x95: {  	_ =	strace s4  }
0x96: {  	s4 =	sld [smem:$0x3FFD];
	_ =	sdelay $0x3  }
0x97: {  	_ =	strace s4  }
0x98: {  	_ =	strace $0x8FFFFFFF  }
0x99: {  	s19 =	sld [smem:$0x3FDB];
	_ =	sdelay $0x1  }
0x9a: {  	s5 =	simm.s32 $_scs_section_size  }
0x9b: {  	s6 =	simm.s32 $_size__tile_overlayer_lowered;
	s7 =	simm.s32 $_tile_overlayer_lowered  }
0x9c: {  	s22 =	simm.s32 $0x1BFF;
	s21 =	sshll.u32 s7, $0x1;
	s4 =	sadd.s32 s5, s19  }
0x9d: {  	s8 =	simm.s32 $0x0;
	s20 =	sshll.u32 s6, $0x1;
	s6 =	sadd.s32 s21, s4  }
0x9e: {  	[timem:s8], [sflag:s22] =	dma.local [hbm:s6], s20  }
0x9f: {  	_ =	swait.ge [sflag:s22], s20  }
0xa0: {  	s5 =	ssub.s32 $0x0, s20;
	[sflag:s22] =	ssyncset.done $0x0  }
0xa1: {  	[sflag:s22] =	ssyncadd.s32 s5;
	_ =	sdelay $0x1  }
0xa2: {  	s23 =	simm.s32 $0x1B8B  }
0xa3: {  	_ =	swait.ge [sflag:s23], $0x1  }
0xa4: {  	[sflag:s23] =	ssyncset.done $0x0  }
0xa5: {  	s25 =	simm.s32 $0x1B8E;
	s24 =	sld [smem:$0x3FFE];
	[sflag:s23] =	ssyncadd.s32 $0xFFFFFFFF  }
0xa6: {  	s26 =	simm.s32 $execute0_lowered;
	[smem:$0x3FD2] =	sst s25  }
0xa7: {  	s6 =	sshll.u32 s26, $0x1;
	_ =	strace $0x80000049;
	[dreg:$0x1] =	wrdreg $0xFFFFFFFF  }
0xa8: {  	s28 =	simm.s32 $_size_execute0_lowered;
	s4 =	sadd.s32 s4, s6;
	[dreg:$0x0] =	wrdreg $0x0  }
0xa9: {  	s6 =	sshll.u32 s28, $0x1;
	[dreg:$0x2] =	wrdreg s4  }
0xaa: {  	[dreg:$0x3] =	wrdreg s6  }
0xab: {  	[dreg:$0x4] =	wrdreg $0xC0  }
0xac: {  	_ =	task [dreg:s8], $0x5FFFF  }
0xad: {  	[dreg:$0x1] =	wrdreg $0xFFFFFFFF  }
0xae: {  	[dreg:$0x0] =	wrdreg $0x60  }
0xaf: {  	[dreg:$0x2] =	wrdreg s24  }
0xb0: {  	[dreg:$0x3] =	wrdreg s2  }
0xb1: {  	[dreg:$0x4] =	wrdreg s18  }
0xb2: {  	[dreg:$0x5] =	wrdreg $0x18A880  }
0xb3: {  	[dreg:$0x6] =	wrdreg $0x9  }
0xb4: {  	_ =	task.clear_ibuf [dreg:s8], $0x7FFFF;
	_ =	strace $0x90000049  }
0xb5: {  	s29 =	simm.s32 $0x9;
	_ =	strace $0x8000004B  }
0xb6: {  	_ =	swait.ge [sflag:s29], $0x1  }
0xb7: {  	[sflag:s29] =	ssyncadd.s32 $0xFFFFFFFF  }
0xb8: {  	_ =	strace $0x9000004B  }
0xb9: {  	_ =	sfence  }
0xba: {  	s30 =	sld [smem:$0x0];
	_ =	sdelay $0x2  }
0xbb: {  	s31 =	sshll.u32 s1, $0xD;
	s1 =	sshrl.u32 s1, $0x2  }
0xbc: {  	s3 =	sand.u32 $0x4000, s31;
	s1 =	sadd.s32 s1, s30  }
0xbd: {  	s0 =	sor.u32 s3, s0;
	s1 =	sshll.u32 s1, $0x11  }
0xbe: {  	s0 =	sor.u32 s1, s0  }
0xbf: {  	s0 =	sadd.s32 $0x8F2B, s0  }
0xc0: {  	[sflag:s0] =	ssyncadd.remote.s32 $0x1  }
0xc1: {  	_ =	sfence.sel $0xFFFF  }
0xc2: {  	[dreg:$0x0] =	wrdreg $0xFFFFFFFF;
	(pc) =	sbr.abs _section_cstart, $3  }
0xc3: {  	[dreg:$0x1] =	wrdreg $0xFFFFFFFF  }
0xc4: {  	_ =	task.clear_ibuf [dreg:s8], $0x2FFFF;
	_ =	strace $0x9FFFFFFF  }
0xc5: {  	(tm) =	ssettm $0x7FFFFFFF  }
tec
execute0_lowered:
.L_overlay_start_1:
0x0: {  	(tag) =	ssettag $0x1  }
0x1: {  	s31 =	rddreg [dreg:$0x0]  }
0x2: {  	s14 =	rddreg [dreg:$0x1]  }
0x3: {  	s0 =	rddreg [dreg:$0x2];
	s7 =	stileid.u32  }
0x4: {  	s2 =	rddreg [dreg:$0x3];
	s3 =	simm.s32 $0x0;
	s4 =	smul.u32 $0x4E20, s7  }
0x5: {  	s5 =	srdreg.scid;
	[smem:$0x7FF] =	sst s3  }
0x6: {  	s23 =	sshll.u32 s7, $0x1;
	s24 =	sshll.u32 s7, $0x6;
	s1 =	sshrl.u32 s4, $0x3  }
0x7: {  	s26 =	sadd.s32 s4, s2;
	s4 =	sor.u32 $0x1C07, s24;
	[dreg:$0x6] =	wrdreg s1  }
0x8: {  	s6 =	sadd.s32 s0, s1;
	s1 =	sand.u32 $0x1, s5;
	s5 =	simm.s32 $0x7  }
0x9: {  	_ =	strace $0x8000004A;
	[dreg:$0x5] =	wrdreg s6;
	s16 =	sor.u32 s1, s23  }
0xa: {  	s6 =	sshrl.u32 s26, $0x3;
	s25 =	rddreg [dreg:$0x5];
	s15 =	smul.u32 $0x1388, s16  }
0xb: {  	[spmem:s6], [sflag:s4] =	dma.local [hbm:s25], $0x9C4  }
0xc: {  	_ =	swait.ge [sflag:s5], $0x9C4  }
0xd: {  	s0 =	sshrl.u32 s15, $0x3;
	[sflag:s5] =	ssyncset.done $0x0  }
0xe: {  	s7 =	sadd.s32 s14, s0;
	[sflag:s5] =	ssyncadd.s32 $0xFFFFF63C  }
0xf: {  	[tilespmem:s3], [sflag:$0x7] =	stream.linear.gather [hbm4b:s7+s3], $0x3E8, $0x38;
	[tilespmem:$0x1D8A8] =	vst v63  }
0x10: {  	s17 =	sadd.s32 $0x3E8, s15;
	_ =	swait.ge [sflag:s5], $0x3E8  }
0x11: {  	s8 =	sshrl.u32 s17, $0x3;
	[sflag:s5] =	ssyncset.done $0x0  }
0x12: {  	s9 =	simm.s32 $0x3E8;
	s8 =	sadd.s32 s14, s8;
	[sflag:s5] =	ssyncadd.s32 $0xFFFFFC18  }
0x13: {  	[tilespmem:s9], [sflag:$0x7] =	stream.linear.gather [hbm4b:s8+s3], $0x3E8, $0x38;
	[tilespmem:$0x1D8A8] =	vst v63  }
0x14: {  	s21 =	sadd.s32 $0x7D0, s15;
	_ =	swait.ge [sflag:s5], $0x3E8  }
0x15: {  	s10 =	sshrl.u32 s21, $0x3;
	[sflag:s5] =	ssyncset.done $0x0  }
0x16: {  	s11 =	simm.s32 $0x7D0;
	s10 =	sadd.s32 s14, s10;
	[sflag:s5] =	ssyncadd.s32 $0xFFFFFC18  }
0x17: {  	[tilespmem:s11], [sflag:$0x7] =	stream.linear.gather [hbm4b:s10+s3], $0x3E8, $0x38;
	[tilespmem:$0x1D8A8] =	vst v63  }
0x18: {  	s25 =	sadd.s32 $0xBB8, s15;
	_ =	swait.ge [sflag:s5], $0x3E8  }
0x19: {  	s12 =	sshrl.u32 s25, $0x3;
	[sflag:s5] =	ssyncset.done $0x0  }
0x1a: {  	s13 =	simm.s32 $0xBB8;
	s12 =	sadd.s32 s14, s12;
	[sflag:s5] =	ssyncadd.s32 $0xFFFFFC18  }
0x1b: {  	[tilespmem:s13], [sflag:$0x7] =	stream.linear.gather [hbm4b:s12+s3], $0x3E8, $0x38;
	[tilespmem:$0x1D8A8] =	vst v63  }
0x1c: {  	s29 =	sadd.s32 $0xFA0, s15;
	_ =	swait.ge [sflag:s5], $0x3E8  }
0x1d: {  	s15 =	sshrl.u32 s29, $0x3;
	[sflag:s5] =	ssyncset.done $0x0  }
0x1e: {  	s14 =	sadd.s32 s14, s15;
	s15 =	simm.s32 $0xFA0;
	[sflag:s5] =	ssyncadd.s32 $0xFFFFFC18  }
0x1f: {  	[tilespmem:s15], [sflag:$0x7] =	stream.linear.gather [hbm4b:s14+s3], $0x3E8, $0x38;
	[tilespmem:$0x1D8A8] =	vst v63  }
0x20: {  	s16 =	smul.u32 $0x4E20, s16;
	_ =	swait.ge [sflag:s5], $0x3E8  }
0x21: {  	s30 =	sadd.s32 $0x51E00, s31;
	[sflag:s5] =	ssyncset.done $0x0  }
0x22: {  	s16 =	sadd.s32 s30, s16;
	[sflag:s5] =	ssyncadd.s32 $0xFFFFFC18  }
0x23: {  	s18 =	sshll.u32 s17, $0x2;
	s17 =	simm.s32 $0x1388;
	[bflag:$0x0] =	sbarrier.arrive $0xFFFF  }
0x24: {  	[tilespmem:s17], [sflag:$0x1] =	stream.linear.gather [hbm4b:s16+s3], $0x7D00, $0x38;
	[tilespmem:$0x1D8A8] =	vst v63  }
0x25: {  	s19 =	simm.s32 $0x9088;
	s20 =	simm.s32 $0x1;
	s18 =	sadd.s32 s30, s18  }
0x26: {  	[tilespmem:s19], [sflag:$0x2] =	stream.linear.gather [hbm4b:s18+s3], $0x7D00, $0x38;
	[tilespmem:$0x1D8A8] =	vst v63  }
0x27: {  	_ =	swait.ge [sflag:s20], $0x7D00  }
0x28: {  	[sflag:s20] =	ssyncset.done $0x0  }
0x29: {  	s21 =	sshll.u32 s21, $0x2;
	[sflag:s20] =	ssyncadd.s32 $0xFFFF8300  }
0x2a: {  	[spmem:s2] =	stream.indirect.scatter.add.f32 [tilespmem:s17], [sflag:$0x4], $0x20, s3, s9, $0xb8;
	[tilespmem:$0x1D8A8] =	vst v63  }
0x2b: {  	s22 =	simm.s32 $0x10D88;
	s23 =	simm.s32 $0x2;
	s21 =	sadd.s32 s30, s21  }
0x2c: {  	[tilespmem:s22], [sflag:$0x3] =	stream.linear.gather [hbm4b:s21+s3], $0x7D00, $0x38;
	[tilespmem:$0x1D8A8] =	vst v63  }
0x2d: {  	_ =	swait.ge [sflag:s23], $0x7D00  }
0x2e: {  	[sflag:s23] =	ssyncset.done $0x0  }
0x2f: {  	s24 =	simm.s32 $0x4;
	[sflag:s23] =	ssyncadd.s32 $0xFFFF8300  }
0x30: {  	[spmem:s2] =	stream.indirect.scatter.add.f32 [tilespmem:s19], [sflag:$0x5], $0x20, s9, s9, $0xb8;
	[tilespmem:$0x1D8A8] =	vst v63  }
0x31: {  	_ =	swait.ge [sflag:s24], $0x7D00  }
0x32: {  	s25 =	sshll.u32 s25, $0x2;
	[sflag:s24] =	ssyncset.done $0x0  }
0x33: {  	s26 =	simm.s32 $0x3;
	s25 =	sadd.s32 s30, s25;
	[sflag:s24] =	ssyncadd.s32 $0xFFFF8300  }
0x34: {  	[tilespmem:s17], [sflag:$0x1] =	stream.linear.gather [hbm4b:s25+s3], $0x7D00, $0x38;
	[tilespmem:$0x1D8A8] =	vst v63  }
0x35: {  	_ =	swait.ge [sflag:s26], $0x7D00  }
0x36: {  	[sflag:s26] =	ssyncset.done $0x0  }
0x37: {  	s28 =	simm.s32 $0x5;
	[sflag:s26] =	ssyncadd.s32 $0xFFFF8300  }
0x38: {  	[spmem:s2] =	stream.indirect.scatter.add.f32 [tilespmem:s22], [sflag:$0x6], $0x20, s11, s9, $0xb8;
	[tilespmem:$0x1D8A8] =	vst v63  }
0x39: {  	_ =	swait.ge [sflag:s28], $0x7D00  }
0x3a: {  	s29 =	sshll.u32 s29, $0x2;
	[sflag:s28] =	ssyncset.done $0x0  }
0x3b: {  	s29 =	sadd.s32 s30, s29;
	[sflag:s28] =	ssyncadd.s32 $0xFFFF8300  }
0x3c: {  	[tilespmem:s19], [sflag:$0x2] =	stream.linear.gather [hbm4b:s29+s3], $0x7D00, $0x38;
	[tilespmem:$0x1D8A8] =	vst v63  }
0x3d: {  	_ =	swait.ge [sflag:s20], $0x7D00  }
0x3e: {  	[sflag:s20] =	ssyncset.done $0x0  }
0x3f: {  	[sflag:s20] =	ssyncadd.s32 $0xFFFF8300  }
0x40: {  	[spmem:s2] =	stream.indirect.scatter.add.f32 [tilespmem:s17], [sflag:$0x4], $0x20, s13, s9, $0xb8;
	[tilespmem:$0x1D8A8] =	vst v63  }
0x41: {  	_ =	swait.ge [sflag:s23], $0x7D00  }
0x42: {  	[sflag:s23] =	ssyncset.done $0x0  }
0x43: {  	s30 =	simm.s32 $0x6;
	[sflag:s23] =	ssyncadd.s32 $0xFFFF8300  }
0x44: {  	[spmem:s2] =	stream.indirect.scatter.add.f32 [tilespmem:s19], [sflag:$0x5], $0x20, s15, s9, $0xb8;
	[tilespmem:$0x1D8A8] =	vst v63  }
0x45: {  	_ =	swait.ge [sflag:s30], $0x7D00  }
0x46: {  	s0 =	smul.u32 $0x9C40, s1;
	[sflag:s30] =	ssyncset.done $0x0  }
0x47: {  	s1 =	ssub.s32 $0x2, s1;
	[sflag:s30] =	ssyncadd.s32 $0xFFFF8300  }
0x48: {  	s0 =	sadd.s32 s0, s31;
	s31 =	sshrl.u32 s1, $0x1;
	_ =	swait.ge [sflag:s24], $0x7D00  }
0x49: {  	s1 =	ssub.s32 s1, s31;
	[sflag:s24] =	ssyncset.done $0x0  }
0x4a: {  	s1 =	smax.u32 s1, $0x1;
	[sflag:s24] =	ssyncadd.s32 $0xFFFF8300  }
0x4b: {  	p0 =	sne.s32 s1, $0x1;
	_ =	swait.ge [sflag:s28], $0x7D00  }
.Ltmp0:
0x4c: {  	[sflag:s28] =	ssyncset.done $0x0;
	(pc) =	sbr.rel @!p0 .LBB2_2-.Ltmp0, $4  }
0x4d: {  	s0 =	sadd.s32 $0xEE200, s0;
	s31 =	rddreg [dreg:$0x6];
	[sflag:s28] =	ssyncadd.s32 $0xFFFF8300  }
0x4e: {  	s31 =	sadd.s32 s31, s0;
	[bflag:$0x0] =	sbarrier.arrive $0xFFFF  }
0x4f: {  	[hbm:s31], [sflag:s4] =	dma.local [spmem:s6], $0x9C4  }
0x50: {  	s1 =	sadd.s32 $0xFFFFFFFF, s1;
	_ =	swait.ge [sflag:s5], $0x9C4  }
.LBB2_1:
0x51: {  	[sflag:s5] =	ssyncset.done $0x0  }
0x52: {  	s0 =	rddreg [dreg:$0x5];
	[sflag:s5] =	ssyncadd.s32 $0xFFFFF63C  }
0x53: {  	[spmem:s6], [sflag:s4] =	dma.local [hbm:s0], $0x9C4  }
0x54: {  	_ =	swait.ge [sflag:s5], $0x9C4  }
0x55: {  	[sflag:s5] =	ssyncset.done $0x0  }
0x56: {  	[sflag:s5] =	ssyncadd.s32 $0xFFFFF63C  }
0x57: {  	[tilespmem:s3], [sflag:$0x7] =	stream.linear.gather [hbm4b:s7+s3], $0x3E8, $0x38;
	[tilespmem:$0x1D8A8] =	vst v63  }
0x58: {  	_ =	swait.ge [sflag:s5], $0x3E8  }
0x59: {  	[sflag:s5] =	ssyncset.done $0x0  }
0x5a: {  	[sflag:s5] =	ssyncadd.s32 $0xFFFFFC18  }
0x5b: {  	[tilespmem:s9], [sflag:$0x7] =	stream.linear.gather [hbm4b:s8+s3], $0x3E8, $0x38;
	[tilespmem:$0x1D8A8] =	vst v63  }
0x5c: {  	_ =	swait.ge [sflag:s5], $0x3E8  }
0x5d: {  	[sflag:s5] =	ssyncset.done $0x0  }
0x5e: {  	[sflag:s5] =	ssyncadd.s32 $0xFFFFFC18  }
0x5f: {  	[tilespmem:s11], [sflag:$0x7] =	stream.linear.gather [hbm4b:s10+s3], $0x3E8, $0x38;
	[tilespmem:$0x1D8A8] =	vst v63  }
0x60: {  	_ =	swait.ge [sflag:s5], $0x3E8  }
0x61: {  	[sflag:s5] =	ssyncset.done $0x0  }
0x62: {  	[sflag:s5] =	ssyncadd.s32 $0xFFFFFC18  }
0x63: {  	[tilespmem:s13], [sflag:$0x7] =	stream.linear.gather [hbm4b:s12+s3], $0x3E8, $0x38;
	[tilespmem:$0x1D8A8] =	vst v63  }
0x64: {  	_ =	swait.ge [sflag:s5], $0x3E8  }
0x65: {  	[sflag:s5] =	ssyncset.done $0x0  }
0x66: {  	[sflag:s5] =	ssyncadd.s32 $0xFFFFFC18  }
0x67: {  	[tilespmem:s15], [sflag:$0x7] =	stream.linear.gather [hbm4b:s14+s3], $0x3E8, $0x38;
	[tilespmem:$0x1D8A8] =	vst v63  }
0x68: {  	_ =	swait.ge [sflag:s5], $0x3E8  }
0x69: {  	[sflag:s5] =	ssyncset.done $0x0  }
0x6a: {  	[sflag:s5] =	ssyncadd.s32 $0xFFFFFC18  }
0x6b: {  	[bflag:$0x0] =	sbarrier.arrive $0xFFFF  }
0x6c: {  	[tilespmem:s17], [sflag:$0x1] =	stream.linear.gather [hbm4b:s16+s3], $0x7D00, $0x38;
	[tilespmem:$0x1D8A8] =	vst v63  }
0x6d: {  	_ = 	snop  }
0x6e: {  	[tilespmem:s19], [sflag:$0x2] =	stream.linear.gather [hbm4b:s18+s3], $0x7D00, $0x38;
	[tilespmem:$0x1D8A8] =	vst v63  }
0x6f: {  	_ =	swait.ge [sflag:s20], $0x7D00  }
0x70: {  	[sflag:s20] =	ssyncset.done $0x0  }
0x71: {  	[sflag:s20] =	ssyncadd.s32 $0xFFFF8300  }
0x72: {  	[spmem:s2] =	stream.indirect.scatter.add.f32 [tilespmem:s17], [sflag:$0x4], $0x20, s3, s9, $0xb8;
	[tilespmem:$0x1D8A8] =	vst v63  }
0x73: {  	_ = 	snop  }
0x74: {  	[tilespmem:s22], [sflag:$0x3] =	stream.linear.gather [hbm4b:s21+s3], $0x7D00, $0x38;
	[tilespmem:$0x1D8A8] =	vst v63  }
0x75: {  	_ =	swait.ge [sflag:s23], $0x7D00  }
0x76: {  	[sflag:s23] =	ssyncset.done $0x0  }
0x77: {  	[sflag:s23] =	ssyncadd.s32 $0xFFFF8300  }
0x78: {  	[spmem:s2] =	stream.indirect.scatter.add.f32 [tilespmem:s19], [sflag:$0x5], $0x20, s9, s9, $0xb8;
	[tilespmem:$0x1D8A8] =	vst v63  }
0x79: {  	_ =	swait.ge [sflag:s24], $0x7D00  }
0x7a: {  	[sflag:s24] =	ssyncset.done $0x0  }
0x7b: {  	[sflag:s24] =	ssyncadd.s32 $0xFFFF8300  }
0x7c: {  	[tilespmem:s17], [sflag:$0x1] =	stream.linear.gather [hbm4b:s25+s3], $0x7D00, $0x38;
	[tilespmem:$0x1D8A8] =	vst v63  }
0x7d: {  	_ =	swait.ge [sflag:s26], $0x7D00  }
0x7e: {  	[sflag:s26] =	ssyncset.done $0x0  }
0x7f: {  	[sflag:s26] =	ssyncadd.s32 $0xFFFF8300  }
0x80: {  	[spmem:s2] =	stream.indirect.scatter.add.f32 [tilespmem:s22], [sflag:$0x6], $0x20, s11, s9, $0xb8;
	[tilespmem:$0x1D8A8] =	vst v63  }
0x81: {  	_ =	swait.ge [sflag:s28], $0x7D00  }
0x82: {  	[sflag:s28] =	ssyncset.done $0x0  }
0x83: {  	[sflag:s28] =	ssyncadd.s32 $0xFFFF8300  }
0x84: {  	[tilespmem:s19], [sflag:$0x2] =	stream.linear.gather [hbm4b:s29+s3], $0x7D00, $0x38;
	[tilespmem:$0x1D8A8] =	vst v63  }
0x85: {  	_ =	swait.ge [sflag:s20], $0x7D00  }
0x86: {  	[sflag:s20] =	ssyncset.done $0x0  }
0x87: {  	[sflag:s20] =	ssyncadd.s32 $0xFFFF8300  }
0x88: {  	[spmem:s2] =	stream.indirect.scatter.add.f32 [tilespmem:s17], [sflag:$0x4], $0x20, s13, s9, $0xb8;
	[tilespmem:$0x1D8A8] =	vst v63  }
0x89: {  	_ =	swait.ge [sflag:s23], $0x7D00  }
0x8a: {  	[sflag:s23] =	ssyncset.done $0x0  }
0x8b: {  	[sflag:s23] =	ssyncadd.s32 $0xFFFF8300  }
0x8c: {  	[spmem:s2] =	stream.indirect.scatter.add.f32 [tilespmem:s19], [sflag:$0x5], $0x20, s15, s9, $0xb8;
	[tilespmem:$0x1D8A8] =	vst v63  }
0x8d: {  	_ =	swait.ge [sflag:s30], $0x7D00  }
0x8e: {  	[sflag:s30] =	ssyncset.done $0x0  }
0x8f: {  	[sflag:s30] =	ssyncadd.s32 $0xFFFF8300  }
0x90: {  	_ =	swait.ge [sflag:s24], $0x7D00  }
0x91: {  	[sflag:s24] =	ssyncset.done $0x0  }
0x92: {  	[sflag:s24] =	ssyncadd.s32 $0xFFFF8300  }
0x93: {  	p0 =	sne.s32 s1, $0x1;
	_ =	swait.ge [sflag:s28], $0x7D00  }
.Ltmp1:
0x94: {  	[sflag:s28] =	ssyncset.done $0x0;
	(pc) =	sbr.rel @p0 .LBB2_1-.Ltmp1, $4  }
0x95: {  	[sflag:s28] =	ssyncadd.s32 $0xFFFF8300  }
0x96: {  	[bflag:$0x0] =	sbarrier.arrive $0xFFFF  }
0x97: {  	[hbm:s31], [sflag:s4] =	dma.local [spmem:s6], $0x9C4  }
0x98: {  	s1 =	sadd.s32 $0xFFFFFFFF, s1;
	_ =	swait.ge [sflag:s5], $0x9C4  }
.LBB2_2:
0x99: {  	[sflag:s5] =	ssyncset.done $0x0  }
0x9a: {  	[sflag:s5] =	ssyncadd.s32 $0xFFFFF63C  }
0x9b: {  	_ =	sfence.sel $0x180000  }
0x9c: {  	[bflag:$0x0] =	sbarrier.arrive $0xFFFF  }
0x9d: {  	_ =	strace $0x9000004A  }
0x9e: {  	s0 =	stileid.u32;
	[bflag:$0x2] =	sbarrier.arrive $0xFFFF  }
0x9f: {  	p0 =	sne.s32 s0, $0x0;
	s0 =	rddreg [dreg:$0x4]  }
0xa0: {  	s0 =	sadd.s32 @!p0 $0x100000, s0  }
0xa1: {  	[sflag:s0] =	ssyncadd.tile.s32 @!p0 $0x1;
	_ =	shalt  }
.Lfunc_end2:
_tile_overlayer_lowered:
.L_overlay_start_2:
0xa2: {  	(tag) =	ssettag $0x2  }
0xa3: {  	s0 =	rddreg [dreg:$0x0];
	s2 =	stileid.u32  }
0xa4: {  	s1 =	rddreg [dreg:$0x1];
	p0 =	sne.s32 s2, $0x0  }
0xa5: {  	s3 =	rddreg [dreg:$0x2];
	[bflag:$0x3] =	sbarrier.arrive $0xFFFF;
	s2 =	simm.s32 @!p0 $0x1C07  }
0xa6: {  	[timem:s3], [sflag:s2] =	dma.local @!p0 [hbm:s0], s1  }
0xa7: {  	s0 =	simm.s32 @!p0 $0x7  }
0xa8: {  	_ =	swait.ge @!p0 [sflag:s0], s1  }
0xa9: {  	s1 =	ssub.s32 @!p0 $0x0, s1;
	[sflag:s0] =	ssyncset.done @!p0 $0x0  }
0xaa: {  	[sflag:s0] =	ssyncadd.s32 @!p0 s1  }
0xab: {  	[bflag:$0x3] =	sbarrier.arrive $0xFFFF  }
0xac: {  	_ =	shalt  }

// kernel: kernel.7.cloned.1.call-start
scs
__scs_entry_jumppad:
0x0: {  	(pc) =	sbr.rel $0x88, $3  }
0x1: {  	(tag) =	ssettag $0x0;
	lr =	simm.s32 $0x1  }
0x2: {  	[smem:$0x3F95] =	sst lr;
	_ =	strace $0xD0000000  }
0x3: {  	_ = 	snop  }
0x4: {  	_ = 	snop  }
0x5: {  	_ = 	snop  }
0x6: {  	_ = 	snop  }
0x7: {  	_ = 	snop  }
__scs_overlays_trampoline_lowered:
0x8: {  	[smem:$0x3FA4] =	sst s0  }
0x9: {  	[smem:$0x3FA5] =	sst s1  }
0xa: {  	[smem:$0x3FA6] =	sst s2  }
0xb: {  	[smem:$0x3FA7] =	sst s3  }
0xc: {  	[smem:$0x3FA8] =	sst s4  }
0xd: {  	[smem:$0x3FA9] =	sst s5  }
0xe: {  	[smem:$0x3FAA] =	sst s6  }
0xf: {  	[smem:$0x3FAB] =	sst s7  }
0x10: {  	[smem:$0x3FAC] =	sst s8  }
0x11: {  	[smem:$0x3FAD] =	sst s9;
	s0 =	simm.s32 @!p0 $0x0  }
0x12: {  	s1 =	sld [smem:$0x3F93];
	s0 =	simm.s32 @p0 $0x1  }
0x13: {  	[smem:$0x3FAE] =	sst s0;
	s0 =	simm.s32 @!p1 $0x0  }
0x14: {  	s2 =	sld [smem:$0x3F92];
	s0 =	simm.s32 @p1 $0x1  }
0x15: {  	[smem:$0x3FAF] =	sst s0;
	s0 =	simm.s32 @!p2 $0x0  }
0x16: {  	s3 =	sld [smem:$0x3FDB];
	s0 =	simm.s32 @p2 $0x1  }
0x17: {  	s4 =	simm.s32 $0x1BF5;
	[smem:$0x3FB1] =	sst s0  }
0x18: {  	s0 =	sld [smem:$0x3F94];
	_ =	swait.ge [sflag:s4], $0x0  }
0x19: {  	s7 =	sld [smem:$0x3F95]  }
0x1a: {  	s8 =	sadd.s32 $0xFFFFE003, lr  }
0x1b: {  	s9 =	sadd.s32 $0xFFFFFEF7, lr;
	s5 =	simm.s32 $0xFFFFFFFF;
	p2 =	slt.u32 s8, $0xFFFFF086  }
0x1c: {  	p1 =	slt.u32 s9, $0xF7A;
	s5 =	simm.s32 @!p2 $0x0  }
0x1d: {  	s5 =	simm.s32 @p1 $0x1;
	p0 =	seq.s32 s7, s2  }
0x1e: {  	s7 =	smul.u32 @!p0 $0xF7A, s2;
	p2 =	seq.s32 @!p0 s5, $0x0  }
0x1f: {  	s9 =	smul.u32 $0xF7A, s1;
	s8 =	simm.s32 @!p0 $0x1BF5;
	p2 =	por !p2, p0  }
0x20: {  	[sflag:s8] =	ssyncset.s32 @!p0 $0xFFFFF086;
	s6 =	sadd.s32 @!p0 s3, s7;
	s7 =	simm.s32 @!p0 $0x108  }
0x21: {  	s3 =	sadd.s32 s3, s9;
	s6 =	sadd.s32 @!p0 $0x88, s6;
	s7 =	simm.s32 @p2 $0x1082  }
0x22: {  	[simem:s7], [sflag:s8] =	dma.local @!p0 [hbm:s6], $0xF7A  }
0x23: {  	s9 =	sor.u32 $0xD0000000, s2;
	s6 =	simm.s32 $0x108;
	_ =	swait.ge @!p0 [sflag:s8], $0x0  }
0x24: {  	s3 =	sadd.s32 $0x88, s3;
	s6 =	simm.s32 @!p1 $0x1082;
	[sflag:s4] =	ssyncset.s32 $0xFFFFF086  }
0x25: {  	[simem:s6], [sflag:s4] =	dma.local [hbm:s3], $0xF7A  }
0x26: {  	[smem:$0x3F95] =	sst s1;
	(tag) =	ssettag s2;
	_ =	strace s9  }
0x27: {  	s1 =	sld [smem:$0x3FA5]  }
0x28: {  	s2 =	sld [smem:$0x3FA6]  }
0x29: {  	s4 =	sld [smem:$0x3FA8]  }
0x2a: {  	p0 =	seq.s32 s5, $0x0;
	s5 =	sld [smem:$0x3FA9]  }
0x2b: {  	s6 =	sld [smem:$0x3FAA]  }
0x2c: {  	s7 =	sld [smem:$0x3FAB]  }
0x2d: {  	s3 =	simm.s32 $0x108;
	s8 =	sld [smem:$0x3FAC]  }
0x2e: {  	s3 =	simm.s32 @!p0 $0x1082;
	s9 =	sld [smem:$0x3FAD]  }
0x2f: {  	lr =	sadd.s32 s0, s3;
	s0 =	sld [smem:$0x3FA4]  }
0x30: {  	s3 =	sld [smem:$0x3FA7]  }
0x31: {  	[smem:$0x3FB0] =	sst s10  }
0x32: {  	s10 =	sld [smem:$0x3FAE];
	_ =	sdelay $0x3  }
0x33: {  	p0 =	seq.s32 s10, $0x1;
	s10 =	sld [smem:$0x3FB0];
	_ =	sdelay $0x3  }
0x34: {  	[smem:$0x3FB0] =	sst s10  }
0x35: {  	s10 =	sld [smem:$0x3FAF];
	_ =	sdelay $0x3  }
0x36: {  	p1 =	seq.s32 s10, $0x1;
	s10 =	sld [smem:$0x3FB0];
	_ =	sdelay $0x3  }
0x37: {  	[smem:$0x3FB0] =	sst s10  }
0x38: {  	s10 =	sld [smem:$0x3FB1]  }
0x39: {  	_ = 	snop;
	(pc) =	sbr.ind lr, $3  }
0x3a: {  	_ = 	snop  }
0x3b: {  	_ = 	snop  }
0x3c: {  	p2 =	seq.s32 s10, $0x1;
	s10 =	sld [smem:$0x3FB0]  }
0x3d: {  	_ =	shalt  }
0x3e: {  	_ =	shalt  }
0x3f: {  	_ =	shalt  }
0x40: {  	_ =	shalt  }
0x41: {  	_ =	shalt  }
0x42: {  	_ =	shalt  }
0x43: {  	_ =	shalt  }
0x44: {  	_ =	shalt  }
0x45: {  	_ =	shalt  }
0x46: {  	_ =	shalt  }
0x47: {  	_ =	shalt  }
0x48: {  	_ =	shalt  }
0x49: {  	_ =	shalt  }
0x4a: {  	_ =	shalt  }
0x4b: {  	_ =	shalt  }
0x4c: {  	_ =	shalt  }
0x4d: {  	_ =	shalt  }
0x4e: {  	_ =	shalt  }
0x4f: {  	_ =	shalt  }
0x50: {  	_ =	shalt  }
0x51: {  	_ =	shalt  }
0x52: {  	_ =	shalt  }
0x53: {  	_ =	shalt  }
0x54: {  	_ =	shalt  }
0x55: {  	_ =	shalt  }
0x56: {  	_ =	shalt  }
0x57: {  	_ =	shalt  }
0x58: {  	_ =	shalt  }
0x59: {  	_ =	shalt  }
0x5a: {  	_ =	shalt  }
0x5b: {  	_ =	shalt  }
0x5c: {  	_ =	shalt  }
0x5d: {  	_ =	shalt  }
0x5e: {  	_ =	shalt  }
0x5f: {  	_ =	shalt  }
0x60: {  	_ =	shalt  }
0x61: {  	_ =	shalt  }
0x62: {  	_ =	shalt  }
0x63: {  	_ =	shalt  }
0x64: {  	_ =	shalt  }
0x65: {  	_ =	shalt  }
0x66: {  	_ =	shalt  }
0x67: {  	_ =	shalt  }
0x68: {  	_ =	shalt  }
0x69: {  	_ =	shalt  }
0x6a: {  	_ =	shalt  }
0x6b: {  	_ =	shalt  }
0x6c: {  	_ =	shalt  }
0x6d: {  	_ =	shalt  }
0x6e: {  	_ =	shalt  }
0x6f: {  	_ =	shalt  }
0x70: {  	_ =	shalt  }
0x71: {  	_ =	shalt  }
0x72: {  	_ =	shalt  }
0x73: {  	_ =	shalt  }
0x74: {  	_ =	shalt  }
0x75: {  	_ =	shalt  }
0x76: {  	_ =	shalt  }
0x77: {  	_ =	shalt  }
0x78: {  	_ =	shalt  }
0x79: {  	_ =	shalt  }
0x7a: {  	_ =	shalt  }
0x7b: {  	_ =	shalt  }
0x7c: {  	_ =	shalt  }
0x7d: {  	_ =	shalt  }
0x7e: {  	_ =	shalt  }
0x7f: {  	_ =	shalt  }
0x80: {  	_ =	shalt  }
0x81: {  	_ =	shalt  }
0x82: {  	_ =	shalt  }
0x83: {  	_ =	shalt  }
0x84: {  	_ =	shalt  }
0x85: {  	_ =	shalt  }
0x86: {  	_ =	shalt  }
0x87: {  	_ =	shalt  }
.Lfunc_end0:
.L_simem_size_0:
called_computation_lowered:
.L_overlay_start_0:
0x88: {  	s2 =	sld [smem:$0x3FD9]  }
0x89: {  	s3 =	sld [smem:$0x3FFE];
	_ =	sdelay $0x1  }
0x8a: {  	s1 =	srdreg.scid  }
0x8b: {  	s0 =	sand.u32 $0x1, s1  }
0x8c: {  	s17 =	sshll.u32 s0, $0xA;
	s2 =	sadd.s32 s3, s2  }
0x8d: {  	s2 =	sadd.s32 s2, s17  }
0x8e: {  	[smem:$0x3FBC] =	sst s2  }
0x8f: {  	_ = 	snop  }
0x90: {  	s2 =	sld [smem:$0x3FC7]  }
0x91: {  	s18 =	sld [smem:$0x3FD0];
	(tm) =	ssettm $0x1  }
0x92: {  	s4 =	sld [smem:$0x3FFB];
	_ =	sdelay $0x3  }
0x93: {  	_ =	strace s4  }
0x94: {  	s4 =	sld [smem:$0x3FFC];
	_ =	sdelay $0x3  }
0x95: {  	_ =	strace s4  }
0x96: {  	s4 =	sld [smem:$0x3FFD];
	_ =	sdelay $0x3  }
0x97: {  	_ =	strace s4  }
0x98: {  	_ =	strace $0x8FFFFFFF  }
0x99: {  	s19 =	sld [smem:$0x3FDB];
	_ =	sdelay $0x1  }
0x9a: {  	s5 =	simm.s32 $_scs_section_size  }
0x9b: {  	s6 =	simm.s32 $_size__tile_overlayer_lowered;
	s7 =	simm.s32 $_tile_overlayer_lowered  }
0x9c: {  	s22 =	simm.s32 $0x1BFF;
	s21 =	sshll.u32 s7, $0x1;
	s4 =	sadd.s32 s5, s19  }
0x9d: {  	s8 =	simm.s32 $0x0;
	s20 =	sshll.u32 s6, $0x1;
	s6 =	sadd.s32 s21, s4  }
0x9e: {  	[timem:s8], [sflag:s22] =	dma.local [hbm:s6], s20  }
0x9f: {  	_ =	swait.ge [sflag:s22], s20  }
0xa0: {  	s5 =	ssub.s32 $0x0, s20;
	[sflag:s22] =	ssyncset.done $0x0  }
0xa1: {  	[sflag:s22] =	ssyncadd.s32 s5;
	_ =	sdelay $0x1  }
0xa2: {  	s23 =	simm.s32 $0x1B8B  }
0xa3: {  	_ =	swait.ge [sflag:s23], $0x1  }
0xa4: {  	[sflag:s23] =	ssyncset.done $0x0  }
0xa5: {  	s25 =	simm.s32 $0x1B8E;
	s24 =	sld [smem:$0x3FFE];
	[sflag:s23] =	ssyncadd.s32 $0xFFFFFFFF  }
0xa6: {  	s26 =	simm.s32 $execute0_lowered;
	[smem:$0x3FD2] =	sst s25  }
0xa7: {  	s6 =	sshll.u32 s26, $0x1;
	_ =	strace $0x80000046;
	[dreg:$0x1] =	wrdreg $0xFFFFFFFF  }
0xa8: {  	s28 =	simm.s32 $_size_execute0_lowered;
	s4 =	sadd.s32 s4, s6;
	[dreg:$0x0] =	wrdreg $0x0  }
0xa9: {  	s6 =	sshll.u32 s28, $0x1;
	[dreg:$0x2] =	wrdreg s4  }
0xaa: {  	[dreg:$0x3] =	wrdreg s6  }
0xab: {  	[dreg:$0x4] =	wrdreg $0xC0  }
0xac: {  	_ =	task [dreg:s8], $0x5FFFF  }
0xad: {  	[dreg:$0x1] =	wrdreg $0xFFFFFFFF  }
0xae: {  	[dreg:$0x0] =	wrdreg $0x60  }
0xaf: {  	[dreg:$0x2] =	wrdreg s18  }
0xb0: {  	[dreg:$0x3] =	wrdreg s2  }
0xb1: {  	[dreg:$0x4] =	wrdreg s24  }
0xb2: {  	[dreg:$0x5] =	wrdreg $0x9  }
0xb3: {  	_ =	task.clear_ibuf [dreg:s8], $0x6FFFF;
	_ =	strace $0x90000046  }
0xb4: {  	s29 =	simm.s32 $0x9;
	_ =	strace $0x80000048  }
0xb5: {  	_ =	swait.ge [sflag:s29], $0x1  }
0xb6: {  	[sflag:s29] =	ssyncadd.s32 $0xFFFFFFFF  }
0xb7: {  	_ =	strace $0x90000048  }
0xb8: {  	_ =	sfence  }
0xb9: {  	s30 =	sld [smem:$0x0];
	_ =	sdelay $0x2  }
0xba: {  	s31 =	sshll.u32 s1, $0xD;
	s1 =	sshrl.u32 s1, $0x2  }
0xbb: {  	s3 =	sand.u32 $0x4000, s31;
	s1 =	sadd.s32 s1, s30  }
0xbc: {  	s0 =	sor.u32 s3, s0;
	s1 =	sshll.u32 s1, $0x11  }
0xbd: {  	s0 =	sor.u32 s1, s0  }
0xbe: {  	s0 =	sadd.s32 $0x8F2B, s0  }
0xbf: {  	[sflag:s0] =	ssyncadd.remote.s32 $0x1  }
0xc0: {  	_ =	sfence.sel $0xFFFF  }
0xc1: {  	[dreg:$0x0] =	wrdreg $0xFFFFFFFF;
	(pc) =	sbr.abs _section_cstart, $3  }
0xc2: {  	[dreg:$0x1] =	wrdreg $0xFFFFFFFF  }
0xc3: {  	_ =	task.clear_ibuf [dreg:s8], $0x2FFFF;
	_ =	strace $0x9FFFFFFF  }
0xc4: {  	(tm) =	ssettm $0x7FFFFFFF  }
0xc5: {  	_ =	shalt  }
tec
execute0_lowered:
.L_overlay_start_1:
0x0: {  	(tag) =	ssettag $0x1  }
0x1: {  	s1 =	srdreg.scid;
	s0 =	stileid.u32  }
0x2: {  	s29 =	sand.u32 $0x1, s1;
	s31 =	sshll.u32 s0, $0x1  }
0x3: {  	s2 =	rddreg [dreg:$0x0];
	s17 =	sor.u32 s29, s31  }
0x4: {  	s12 =	rddreg [dreg:$0x1];
	s13 =	smul.u32 $0x1388, s17  }
0x5: {  	s18 =	rddreg [dreg:$0x2];
	s3 =	simm.s32 $0x0  }
0x6: {  	s5 =	simm.s32 $0x7;
	[smem:$0x7FF] =	sst s3;
	s4 =	sshrl.u32 s13, $0x3  }
0x7: {  	s1 =	rddreg [dreg:$0x3];
	_ =	strace $0x80000047;
	s4 =	sadd.s32 s12, s4  }
0x8: {  	[tilespmem:s3], [sflag:$0x7] =	stream.linear.gather [hbm4b:s4+s3], $0x3E8, $0x38;
	[tilespmem:$0x18A88] =	vst v63  }
0x9: {  	s20 =	sadd.s32 $0x3E8, s13;
	_ =	swait.ge [sflag:s5], $0x3E8  }
0xa: {  	s6 =	sshrl.u32 s20, $0x3;
	[sflag:s5] =	ssyncset.done $0x0  }
0xb: {  	s7 =	simm.s32 $0x3E8;
	s6 =	sadd.s32 s12, s6;
	[sflag:s5] =	ssyncadd.s32 $0xFFFFFC18  }
0xc: {  	[tilespmem:s7], [sflag:$0x7] =	stream.linear.gather [hbm4b:s6+s3], $0x3E8, $0x38;
	[tilespmem:$0x18A88] =	vst v63  }
0xd: {  	s23 =	sadd.s32 $0x7D0, s13;
	_ =	swait.ge [sflag:s5], $0x3E8  }
0xe: {  	s8 =	sshrl.u32 s23, $0x3;
	[sflag:s5] =	ssyncset.done $0x0  }
0xf: {  	s9 =	simm.s32 $0x7D0;
	s8 =	sadd.s32 s12, s8;
	[sflag:s5] =	ssyncadd.s32 $0xFFFFFC18  }
0x10: {  	[tilespmem:s9], [sflag:$0x7] =	stream.linear.gather [hbm4b:s8+s3], $0x3E8, $0x38;
	[tilespmem:$0x18A88] =	vst v63  }
0x11: {  	s25 =	sadd.s32 $0xBB8, s13;
	_ =	swait.ge [sflag:s5], $0x3E8  }
0x12: {  	s10 =	sshrl.u32 s25, $0x3;
	[sflag:s5] =	ssyncset.done $0x0  }
0x13: {  	s11 =	simm.s32 $0xBB8;
	s10 =	sadd.s32 s12, s10;
	[sflag:s5] =	ssyncadd.s32 $0xFFFFFC18  }
0x14: {  	[tilespmem:s11], [sflag:$0x7] =	stream.linear.gather [hbm4b:s10+s3], $0x3E8, $0x38;
	[tilespmem:$0x18A88] =	vst v63  }
0x15: {  	s26 =	sadd.s32 $0xFA0, s13;
	_ =	swait.ge [sflag:s5], $0x3E8  }
0x16: {  	s13 =	sshrl.u32 s26, $0x3;
	[sflag:s5] =	ssyncset.done $0x0  }
0x17: {  	s12 =	sadd.s32 s12, s13;
	s13 =	simm.s32 $0xFA0;
	[sflag:s5] =	ssyncadd.s32 $0xFFFFFC18  }
0x18: {  	[tilespmem:s13], [sflag:$0x7] =	stream.linear.gather [hbm4b:s12+s3], $0x3E8, $0x38;
	[tilespmem:$0x18A88] =	vst v63  }
0x19: {  	_ =	swait.ge [sflag:s5], $0x3E8  }
0x1a: {  	[sflag:s5] =	ssyncset.done $0x0  }
0x1b: {  	s14 =	simm.s32 $0x1388;
	[sflag:s5] =	ssyncadd.s32 $0xFFFFFC18  }
0x1c: {  	[tilespmem:s14], [sflag:$0x1] =	stream.indirect.gather [hbm4b:s2+s7], $0x20, s3, s7, $0xb8;
	[tilespmem:$0x18A88] =	vst v63  }
0x1d: {  	s15 =	simm.s32 $0x9088;
	s16 =	simm.s32 $0x1  }
0x1e: {  	[tilespmem:s15], [sflag:$0x2] =	stream.indirect.gather [hbm4b:s2+s7], $0x20, s7, s7, $0xb8;
	[tilespmem:$0x18A88] =	vst v63  }
0x1f: {  	s17 =	smul.u32 $0x4E20, s17;
	_ =	swait.ge [sflag:s16], $0x7D00  }
0x20: {  	s28 =	sadd.s32 $0x51E00, s18;
	[sflag:s16] =	ssyncset.done $0x0  }
0x21: {  	s17 =	sadd.s32 s28, s17;
	[sflag:s16] =	ssyncadd.s32 $0xFFFF8300  }
0x22: {  	[hbm4b:s17+s3] =	stream.linear.scatter [tilespmem:s14], [sflag:$0x4], $0x7D00, $0x38;
	[tilespmem:$0x18A88] =	vst v63  }
0x23: {  	s19 =	simm.s32 $0x2;
	s18 =	simm.s32 $0x10D88  }
0x24: {  	[tilespmem:s18], [sflag:$0x3] =	stream.indirect.gather [hbm4b:s2+s7], $0x20, s9, s7, $0xb8;
	[tilespmem:$0x18A88] =	vst v63  }
0x25: {  	_ =	swait.ge [sflag:s19], $0x7D00  }
0x26: {  	s20 =	sshll.u32 s20, $0x2;
	[sflag:s19] =	ssyncset.done $0x0  }
0x27: {  	s21 =	simm.s32 $0x4;
	s20 =	sadd.s32 s28, s20;
	[sflag:s19] =	ssyncadd.s32 $0xFFFF8300  }
0x28: {  	[hbm4b:s20+s3] =	stream.linear.scatter [tilespmem:s15], [sflag:$0x5], $0x7D00, $0x38;
	[tilespmem:$0x18A88] =	vst v63  }
0x29: {  	_ =	swait.ge [sflag:s21], $0x7D00  }
0x2a: {  	[sflag:s21] =	ssyncset.done $0x0  }
0x2b: {  	s22 =	simm.s32 $0x3;
	[sflag:s21] =	ssyncadd.s32 $0xFFFF8300  }
0x2c: {  	[tilespmem:s14], [sflag:$0x1] =	stream.indirect.gather [hbm4b:s2+s7], $0x20, s11, s7, $0xb8;
	[tilespmem:$0x18A88] =	vst v63  }
0x2d: {  	_ =	swait.ge [sflag:s22], $0x7D00  }
0x2e: {  	s23 =	sshll.u32 s23, $0x2;
	[sflag:s22] =	ssyncset.done $0x0  }
0x2f: {  	s24 =	simm.s32 $0x5;
	s23 =	sadd.s32 s28, s23;
	[sflag:s22] =	ssyncadd.s32 $0xFFFF8300  }
0x30: {  	[hbm4b:s23+s3] =	stream.linear.scatter [tilespmem:s18], [sflag:$0x6], $0x7D00, $0x38;
	[tilespmem:$0x18A88] =	vst v63  }
0x31: {  	_ =	swait.ge [sflag:s24], $0x7D00  }
0x32: {  	[sflag:s24] =	ssyncset.done $0x0  }
0x33: {  	[sflag:s24] =	ssyncadd.s32 $0xFFFF8300  }
0x34: {  	[tilespmem:s15], [sflag:$0x2] =	stream.indirect.gather [hbm4b:s2+s7], $0x20, s13, s7, $0xb8;
	[tilespmem:$0x18A88] =	vst v63  }
0x35: {  	_ =	swait.ge [sflag:s16], $0x7D00  }
0x36: {  	s25 =	sshll.u32 s25, $0x2;
	[sflag:s16] =	ssyncset.done $0x0  }
0x37: {  	s25 =	sadd.s32 s28, s25;
	[sflag:s16] =	ssyncadd.s32 $0xFFFF8300  }
0x38: {  	[hbm4b:s25+s3] =	stream.linear.scatter [tilespmem:s14], [sflag:$0x4], $0x7D00, $0x38;
	[tilespmem:$0x18A88] =	vst v63  }
0x39: {  	s29 =	ssub.s32 $0x2, s29;
	_ =	swait.ge [sflag:s19], $0x7D00  }
0x3a: {  	s30 =	sshrl.u32 s29, $0x1;
	s26 =	sshll.u32 s26, $0x2;
	[sflag:s19] =	ssyncset.done $0x0  }
0x3b: {  	s26 =	sadd.s32 s28, s26;
	s28 =	simm.s32 $0x6;
	[sflag:s19] =	ssyncadd.s32 $0xFFFF8300  }
0x3c: {  	[hbm4b:s26+s3] =	stream.linear.scatter [tilespmem:s15], [sflag:$0x5], $0x7D00, $0x38;
	[tilespmem:$0x18A88] =	vst v63  }
0x3d: {  	s29 =	ssub.s32 s29, s30;
	_ =	swait.ge [sflag:s28], $0x7D00  }
0x3e: {  	s29 =	smax.u32 s29, $0x1;
	[sflag:s28] =	ssyncset.done $0x0  }
0x3f: {  	p0 =	sne.s32 s29, $0x1;
	[sflag:s28] =	ssyncadd.s32 $0xFFFF8300  }
.Ltmp0:
0x40: {  	_ =	swait.ge [sflag:s21], $0x7D00;
	(pc) =	sbr.rel @!p0 .LBB2_2-.Ltmp0, $4  }
0x41: {  	[sflag:s21] =	ssyncset.done $0x0  }
0x42: {  	[sflag:s21] =	ssyncadd.s32 $0xFFFF8300  }
0x43: {  	_ =	swait.ge [sflag:s24], $0x7D00  }
0x44: {  	s29 =	sadd.s32 $0xFFFFFFFF, s29;
	[sflag:s24] =	ssyncset.done $0x0  }
.LBB2_1:
0x45: {  	p0 =	sne.s32 s29, $0x1;
	s29 =	sadd.s32 $0xFFFFFFFF, s29;
	[sflag:s24] =	ssyncadd.s32 $0xFFFF8300  }
0x46: {  	[tilespmem:s3], [sflag:$0x7] =	stream.linear.gather [hbm4b:s4+s3], $0x3E8, $0x38;
	[tilespmem:$0x18A88] =	vst v63  }
0x47: {  	_ =	swait.ge [sflag:s5], $0x3E8  }
0x48: {  	[sflag:s5] =	ssyncset.done $0x0  }
0x49: {  	[sflag:s5] =	ssyncadd.s32 $0xFFFFFC18  }
0x4a: {  	[tilespmem:s7], [sflag:$0x7] =	stream.linear.gather [hbm4b:s6+s3], $0x3E8, $0x38;
	[tilespmem:$0x18A88] =	vst v63  }
0x4b: {  	_ =	swait.ge [sflag:s5], $0x3E8  }
0x4c: {  	[sflag:s5] =	ssyncset.done $0x0  }
0x4d: {  	[sflag:s5] =	ssyncadd.s32 $0xFFFFFC18  }
0x4e: {  	[tilespmem:s9], [sflag:$0x7] =	stream.linear.gather [hbm4b:s8+s3], $0x3E8, $0x38;
	[tilespmem:$0x18A88] =	vst v63  }
0x4f: {  	_ =	swait.ge [sflag:s5], $0x3E8  }
0x50: {  	[sflag:s5] =	ssyncset.done $0x0  }
0x51: {  	[sflag:s5] =	ssyncadd.s32 $0xFFFFFC18  }
0x52: {  	[tilespmem:s11], [sflag:$0x7] =	stream.linear.gather [hbm4b:s10+s3], $0x3E8, $0x38;
	[tilespmem:$0x18A88] =	vst v63  }
0x53: {  	_ =	swait.ge [sflag:s5], $0x3E8  }
0x54: {  	[sflag:s5] =	ssyncset.done $0x0  }
0x55: {  	[sflag:s5] =	ssyncadd.s32 $0xFFFFFC18  }
0x56: {  	[tilespmem:s13], [sflag:$0x7] =	stream.linear.gather [hbm4b:s12+s3], $0x3E8, $0x38;
	[tilespmem:$0x18A88] =	vst v63  }
0x57: {  	_ =	swait.ge [sflag:s5], $0x3E8  }
0x58: {  	[sflag:s5] =	ssyncset.done $0x0  }
0x59: {  	[sflag:s5] =	ssyncadd.s32 $0xFFFFFC18  }
0x5a: {  	[tilespmem:s14], [sflag:$0x1] =	stream.indirect.gather [hbm4b:s2+s7], $0x20, s3, s7, $0xb8;
	[tilespmem:$0x18A88] =	vst v63  }
0x5b: {  	_ = 	snop  }
0x5c: {  	[tilespmem:s15], [sflag:$0x2] =	stream.indirect.gather [hbm4b:s2+s7], $0x20, s7, s7, $0xb8;
	[tilespmem:$0x18A88] =	vst v63  }
0x5d: {  	_ =	swait.ge [sflag:s16], $0x7D00  }
0x5e: {  	[sflag:s16] =	ssyncset.done $0x0  }
0x5f: {  	[sflag:s16] =	ssyncadd.s32 $0xFFFF8300  }
0x60: {  	[hbm4b:s17+s3] =	stream.linear.scatter [tilespmem:s14], [sflag:$0x4], $0x7D00, $0x38;
	[tilespmem:$0x18A88] =	vst v63  }
0x61: {  	_ = 	snop  }
0x62: {  	[tilespmem:s18], [sflag:$0x3] =	stream.indirect.gather [hbm4b:s2+s7], $0x20, s9, s7, $0xb8;
	[tilespmem:$0x18A88] =	vst v63  }
0x63: {  	_ =	swait.ge [sflag:s19], $0x7D00  }
0x64: {  	[sflag:s19] =	ssyncset.done $0x0  }
0x65: {  	[sflag:s19] =	ssyncadd.s32 $0xFFFF8300  }
0x66: {  	[hbm4b:s20+s3] =	stream.linear.scatter [tilespmem:s15], [sflag:$0x5], $0x7D00, $0x38;
	[tilespmem:$0x18A88] =	vst v63  }
0x67: {  	_ =	swait.ge [sflag:s21], $0x7D00  }
0x68: {  	[sflag:s21] =	ssyncset.done $0x0  }
0x69: {  	[sflag:s21] =	ssyncadd.s32 $0xFFFF8300  }
0x6a: {  	[tilespmem:s14], [sflag:$0x1] =	stream.indirect.gather [hbm4b:s2+s7], $0x20, s11, s7, $0xb8;
	[tilespmem:$0x18A88] =	vst v63  }
0x6b: {  	_ =	swait.ge [sflag:s22], $0x7D00  }
0x6c: {  	[sflag:s22] =	ssyncset.done $0x0  }
0x6d: {  	[sflag:s22] =	ssyncadd.s32 $0xFFFF8300  }
0x6e: {  	[hbm4b:s23+s3] =	stream.linear.scatter [tilespmem:s18], [sflag:$0x6], $0x7D00, $0x38;
	[tilespmem:$0x18A88] =	vst v63  }
0x6f: {  	_ =	swait.ge [sflag:s24], $0x7D00  }
0x70: {  	[sflag:s24] =	ssyncset.done $0x0  }
0x71: {  	[sflag:s24] =	ssyncadd.s32 $0xFFFF8300  }
0x72: {  	[tilespmem:s15], [sflag:$0x2] =	stream.indirect.gather [hbm4b:s2+s7], $0x20, s13, s7, $0xb8;
	[tilespmem:$0x18A88] =	vst v63  }
0x73: {  	_ =	swait.ge [sflag:s16], $0x7D00  }
0x74: {  	[sflag:s16] =	ssyncset.done $0x0  }
0x75: {  	[sflag:s16] =	ssyncadd.s32 $0xFFFF8300  }
0x76: {  	[hbm4b:s25+s3] =	stream.linear.scatter [tilespmem:s14], [sflag:$0x4], $0x7D00, $0x38;
	[tilespmem:$0x18A88] =	vst v63  }
0x77: {  	_ =	swait.ge [sflag:s19], $0x7D00  }
0x78: {  	[sflag:s19] =	ssyncset.done $0x0  }
0x79: {  	[sflag:s19] =	ssyncadd.s32 $0xFFFF8300  }
0x7a: {  	[hbm4b:s26+s3] =	stream.linear.scatter [tilespmem:s15], [sflag:$0x5], $0x7D00, $0x38;
	[tilespmem:$0x18A88] =	vst v63  }
0x7b: {  	_ =	swait.ge [sflag:s28], $0x7D00  }
0x7c: {  	[sflag:s28] =	ssyncset.done $0x0  }
0x7d: {  	[sflag:s28] =	ssyncadd.s32 $0xFFFF8300  }
.Ltmp1:
0x7e: {  	_ =	swait.ge [sflag:s21], $0x7D00;
	(pc) =	sbr.rel @p0 .LBB2_1-.Ltmp1, $4  }
0x7f: {  	[sflag:s21] =	ssyncset.done $0x0  }
0x80: {  	[sflag:s21] =	ssyncadd.s32 $0xFFFF8300  }
0x81: {  	_ =	swait.ge [sflag:s24], $0x7D00  }
0x82: {  	[sflag:s24] =	ssyncset.done $0x0  }
.LBB2_2:
0x83: {  	[sflag:s24] =	ssyncadd.s32 $0xFFFF8300  }
0x84: {  	_ =	sfence.sel $0x180000  }
0x85: {  	[bflag:$0x0] =	sbarrier.arrive $0xFFFF  }
0x86: {  	p0 =	sne.s32 s0, $0x0;
	_ =	strace $0x90000047  }
0x87: {  	s0 =	sadd.s32 @!p0 $0x100000, s1;
	[bflag:$0x2] =	sbarrier.arrive $0xFFFF  }
0x88: {  	[sflag:s0] =	ssyncadd.tile.s32 @!p0 $0x1;
	_ =	shalt  }
.Lfunc_end2:
_tile_overlayer_lowered:
.L_overlay_start_2:
0x89: {  	(tag) =	ssettag $0x2  }
0x8a: {  	s0 =	rddreg [dreg:$0x0];
	s2 =	stileid.u32  }
0x8b: {  	s1 =	rddreg [dreg:$0x1];
	p0 =	sne.s32 s2, $0x0  }
0x8c: {  	s3 =	rddreg [dreg:$0x2];
	[bflag:$0x3] =	sbarrier.arrive $0xFFFF;
	s2 =	simm.s32 @!p0 $0x1C07  }
0x8d: {  	[timem:s3], [sflag:s2] =	dma.local @!p0 [hbm:s0], s1  }
0x8e: {  	s0 =	simm.s32 @!p0 $0x7  }
0x8f: {  	_ =	swait.ge @!p0 [sflag:s0], s1  }
0x90: {  	s1 =	ssub.s32 @!p0 $0x0, s1;
	[sflag:s0] =	ssyncset.done @!p0 $0x0  }
0x91: {  	[sflag:s0] =	ssyncadd.s32 @!p0 s1  }
0x92: {  	[bflag:$0x3] =	sbarrier.arrive $0xFFFF  }
0x93: {  	_ =	shalt  }

</sc_bundles>
